<compile_context>
chip_gen: v7x
topology: tpu7x:2x2x1
jax: 0.10.2.dev20260603
libtpu: 0.0.44.dev20260713+nightly
codegen_flags: <defaults>
</compile_context>

<pallas_src>
import functools

import jax
import jax.numpy as jnp
from jax import lax
from jax.experimental import pallas as pl
from jax.experimental.pallas import tpu as pltpu
from jax.experimental.pallas import tpu_sc as plsc

N = 100000
E = 128
G = 1024

NTILES = 32
CH = 3136
NPAD = NTILES * CH
NVR = CH // 16
TAILV = (N - (NTILES - 1) * CH) // 16
BN = 14336
NEG = -1.0e30


BROWS = BN // 128


def _logits_body(h_ref, w_ref, b_ref, out_ref, m_ref):
    pid = pl.program_id(0)
    hb = jnp.reshape(h_ref[...], (BROWS, 128, E))
    v = jnp.sum(hb * w_ref[...], axis=2) + b_ref[...]
    rows = (pid * BN
            + lax.broadcasted_iota(jnp.int32, (BROWS, 128), 0) * 128
            + lax.broadcasted_iota(jnp.int32, (BROWS, 128), 1))
    v = jnp.where(rows < N, v, NEG)
    out_ref[...] = v

    @pl.when(pid == 0)
    def _():
        m_ref[...] = jnp.full((1, 128), NEG, jnp.float32)

    m_ref[...] = jnp.maximum(m_ref[...], jnp.max(v))


_logits_call = pl.pallas_call(
    _logits_body,
    grid=(NPAD // BN,),
    in_specs=[
        pl.BlockSpec((BN, E), lambda i: (i, 0)),
        pl.BlockSpec((1, 1, E), lambda i: (0, 0, 0)),
        pl.BlockSpec((1, 1), lambda i: (0, 0)),
    ],
    out_specs=[
        pl.BlockSpec((BROWS, 128), lambda i: (i, 0)),
        pl.BlockSpec((1, 128), lambda i: (0, 0)),
    ],
    out_shape=[
        jax.ShapeDtypeStruct((NPAD // 128, 128), jnp.float32),
        jax.ShapeDtypeStruct((1, 128), jnp.float32),
    ],
)


@functools.cache
def _build_seg_kernel():
    sc_mesh = plsc.VectorSubcoreMesh(
        core_axis_name="c", subcore_axis_name="s", num_cores=2, num_subcores=16
    )

    @functools.partial(
        pl.kernel,
        out_type=(
            jax.ShapeDtypeStruct((NTILES, G), jnp.float32),
            jax.ShapeDtypeStruct((NTILES, G), jnp.float32),
            jax.ShapeDtypeStruct((G,), jnp.float32),
            jax.ShapeDtypeStruct((G,), jnp.int32),
        ),
        mesh=sc_mesh,
        compiler_params=pltpu.CompilerParams(needs_layout_passes=False),
        scratch_types=[
            pltpu.VMEM((CH,), jnp.float32),
            pltpu.VMEM((CH + 16,), jnp.int32),
            pltpu.VMEM((G,), jnp.float32),
            pltpu.VMEM((G,), jnp.float32),
            pltpu.VMEM((128,), jnp.float32),
            pltpu.VMEM((G // NTILES,), jnp.int32),
            pltpu.VMEM((G // NTILES,), jnp.float32),
            pltpu.VMEM((G // NTILES,), jnp.int32),
            pltpu.SemaphoreType.DMA,
            pltpu.SemaphoreType.DMA,
            pltpu.SemaphoreType.DMA,
            pltpu.SemaphoreType.DMA,
        ],
    )
    def seg_kernel(logits_hbm, seg_hbm, act_hbm, m_hbm,
                   sp_out, tp_out, la_out, sa_out,
                   lg_v, sg_v, sacc, tacc, m_v, act_v, la_v, sa_v,
                   sem_in, sem_act, sem_g, sem_out):
        wid = lax.axis_index("s") * 2 + lax.axis_index("c")
        base = wid * CH
        abase = wid * (G // NTILES)
        cp_lg = pltpu.async_copy(logits_hbm.at[pl.ds(base, CH)], lg_v, sem_in)
        cp_m = pltpu.async_copy(m_hbm.at[0], m_v, sem_in)
        cp_act = pltpu.async_copy(
            act_hbm.at[pl.ds(abase, G // NTILES)], act_v, sem_act)

        zero16i = jnp.zeros((16,), jnp.int32)

        @pl.when(wid < NTILES - 1)
        def _():
            pltpu.sync_copy(seg_hbm.at[pl.ds(base, CH)], sg_v.at[pl.ds(0, CH)])

        @pl.when(wid == NTILES - 1)
        def _():
            for i in range(TAILV, NVR):
                sg_v[pl.ds(i * 16, 16)] = zero16i
            pltpu.sync_copy(
                seg_hbm.at[pl.ds((NTILES - 1) * CH, TAILV * 16)],
                sg_v.at[pl.ds(0, TAILV * 16)])

        sg_v[pl.ds(CH, 16)] = jnp.full((16,), -1, jnp.int32)

        zero16 = jnp.zeros((16,), jnp.float32)
        for i in range(G // 16):
            sacc[pl.ds(i * 16, 16)] = zero16
            tacc[pl.ds(i * 16, 16)] = zero16

        cp_act.wait()
        g_la = pltpu.async_copy(logits_hbm.at[act_v], la_v, sem_g)
        g_sa = pltpu.async_copy(seg_hbm.at[act_v], sa_v, sem_g)
        cp_lg.wait()
        cp_m.wait()

        m16 = m_v[pl.ds(0, 16)]
        iota16 = lax.iota(jnp.int32, 16)
        sidx = jnp.maximum(iota16 - 1, 0)
        neg1 = jnp.full((16,), -1, jnp.int32)
        zerof = jnp.zeros((16,), jnp.float32)

        @plsc.parallel_loop(0, NVR, step=1, unroll=14)
        def _(i):
            off = pl.multiple_of(i * 16, 16)
            l = lg_v[pl.ds(off, 16)]
            idx = sg_v[pl.ds(off, 16)]
            idxn = sg_v[pl.ds(off + 1, 16)]
            sh = l - m16
            e = jnp.exp(sh)
            c1 = plsc.cumsum(e)
            c2 = plsc.cumsum(e * sh)
            m_end = idx != idxn
            midx = jnp.where(m_end, iota16, neg1)
            sm = jnp.where(iota16 == 0, neg1, midx[sidx])
            p = plsc.cummax(sm)
            pc = jnp.maximum(p, 0)
            valid = p >= 0
            f1 = jnp.where(valid, c1[pc], zerof)
            f2 = jnp.where(valid, c2[pc], zerof)
            m_scat = m_end | (iota16 == 15)
            plsc.addupdate_scatter(sacc, [idx], c1 - f1, mask=m_scat)
            plsc.addupdate_scatter(tacc, [idx], c2 - f2, mask=m_scat)

        o_sp = pltpu.async_copy(sacc, sp_out.at[wid], sem_out)
        o_tp = pltpu.async_copy(tacc, tp_out.at[wid], sem_out)
        g_la.wait()
        g_sa.wait()
        o_la = pltpu.async_copy(
            la_v, la_out.at[pl.ds(abase, G // NTILES)], sem_out)
        o_sa = pltpu.async_copy(
            sa_v, sa_out.at[pl.ds(abase, G // NTILES)], sem_out)
        o_sp.wait()
        o_tp.wait()
        o_la.wait()
        o_sa.wait()

    return seg_kernel


def _fin_body(sp_ref, tp_ref, la_ref, sa_ref, m_ref, lp_ref, ent_ref):
    ones = jnp.full((1, NTILES), 1.0, jnp.float32)
    s = jnp.dot(ones, sp_ref[...], preferred_element_type=jnp.float32)
    t = jnp.dot(ones, tp_ref[...], preferred_element_type=jnp.float32)
    pos = s > 0.0
    safe_s = jnp.where(pos, s, 1.0)
    ls = jnp.log(safe_s)
    ent_g = jnp.where(pos, ls - t / safe_s, 0.0)
    ent_ref[...] = jnp.sum(ent_g, keepdims=True)[:, :1] * (1.0 / G)
    oht = (lax.broadcasted_iota(jnp.int32, (G, G), 0)
           == sa_ref[...]).astype(jnp.float32)
    ls_sel = jnp.dot(ls, oht, preferred_element_type=jnp.float32)
    lp_ref[...] = la_ref[...] - m_ref[:, :1] - ls_sel


_fin_call = pl.pallas_call(
    _fin_body,
    out_shape=[
        jax.ShapeDtypeStruct((1, G), jnp.float32),
        jax.ShapeDtypeStruct((1, 1), jnp.float32),
    ],
)


def kernel(actions, h, batch_idx, W, b):
    logits2d, m = _logits_call(h, W.reshape(1, 1, E), b.reshape(1, 1))
    logits = logits2d.reshape(NPAD)
    sp, tp, la, sa = _build_seg_kernel()(logits, batch_idx, actions, m)
    lp, ent = _fin_call(sp, tp, la.reshape(1, G), sa.reshape(1, G), m)
    return (lp.reshape(G), ent.reshape(()))

# --- scband reference (transcript-rebuilt; emitter-appended) ---
"""Pipeline reference for scband-single-action-gnnpolicy-14199161881205 (READ-ONLY COPY).

The authoritative reference and input builder live on the scoring server;
editing this copy changes nothing except your own understanding.
"""

import jax, jax.numpy as jnp
import numpy as np

NUM_GRAPHS = 1024
N_NODES = 100000
EMBED_DIM = 128


def setup_inputs(seed: int = 0) -> dict:
    key = jax.random.key(seed)
    k1, k2, k3, k4 = jax.random.split(key, 4)
    h = jax.random.normal(k1, (N_NODES, EMBED_DIM), dtype=jnp.float32)
    batch_idx = jnp.sort(jax.random.randint(k2, (N_NODES,), 0, NUM_GRAPHS)).astype(jnp.int32)
    actions = jax.random.randint(k3, (NUM_GRAPHS,), 0, N_NODES).astype(jnp.int32)
    # nn.Linear(embedding_dim, 1): weight [1, E], bias [1]; store transposed for matmul
    W = (jax.random.normal(k4, (EMBED_DIM, 1), dtype=jnp.float32) * (1.0 / np.sqrt(EMBED_DIM)))
    b = jnp.zeros((1,), dtype=jnp.float32)
    return {"actions": actions, "h": h, "batch_idx": batch_idx, "W": W, "b": b}


def _node_probs(node_logits, node_mask, batch_idx):
    # per-graph (segment) masked softmax
    logits = jnp.where(node_mask, node_logits, -jnp.inf)
    seg_max = jax.ops.segment_max(logits, batch_idx, num_segments=NUM_GRAPHS)
    shifted = logits - seg_max[batch_idx]
    ex = jnp.exp(shifted) * node_mask.astype(node_logits.dtype)
    denom = jax.ops.segment_sum(ex, batch_idx, num_segments=NUM_GRAPHS)
    p = ex / denom[batch_idx]
    return p


def _masked_entropy(p, node_mask, batch_idx, num_graphs):
    safe_log = jnp.log(jnp.where(p > 0, p, 1.0))
    plogp = jnp.where(p > 0, p * safe_log, 0.0) * node_mask.astype(p.dtype)
    ent_per_graph = -jax.ops.segment_sum(plogp, batch_idx, num_segments=num_graphs)
    return ent_per_graph.mean()


def reference(actions, h, batch_idx, W, b):
    node_logits = (h @ W + b).squeeze(-1)
    node_mask = jnp.ones(node_logits.shape[0], dtype=bool)
    p = _node_probs(node_logits, node_mask, batch_idx)
    entropy = _masked_entropy(p, node_mask, batch_idx, NUM_GRAPHS)
    logprob = jnp.log(p[actions])
    return (logprob, entropy)

if __name__ == "__main__":
    import jax
    _d = setup_inputs()
    print(jax.jit(kernel)(*tuple(_d.values())))

</pallas_src>

<mosaic_0001>
#map = affine_map<(d0, d1) -> (0)>
#map1 = affine_map<(d0, d1) -> (0, 0)>
module attributes {stable_mosaic.version = 14 : i64} {
  func.func @seg_kernel(%arg0: i32, %arg1: i32, %arg2: memref<100352xf32, #tpu.memory_space<hbm>>, %arg3: memref<100000xi32, #tpu.memory_space<hbm>>, %arg4: memref<1024xi32, #tpu.memory_space<hbm>>, %arg5: memref<1x128xf32, #tpu.memory_space<hbm>>, %arg6: memref<32x1024xf32, #tpu.memory_space<hbm>>, %arg7: memref<32x1024xf32, #tpu.memory_space<hbm>>, %arg8: memref<1024xf32, #tpu.memory_space<hbm>>, %arg9: memref<1024xi32, #tpu.memory_space<hbm>>, %arg10: memref<3136xf32, #tpu.memory_space<vmem>>, %arg11: memref<3152xi32, #tpu.memory_space<vmem>>, %arg12: memref<1024xf32, #tpu.memory_space<vmem>>, %arg13: memref<1024xf32, #tpu.memory_space<vmem>>, %arg14: memref<128xf32, #tpu.memory_space<vmem>>, %arg15: memref<32xi32, #tpu.memory_space<vmem>>, %arg16: memref<32xf32, #tpu.memory_space<vmem>>, %arg17: memref<32xi32, #tpu.memory_space<vmem>>, %arg18: memref<!tpu.dma_semaphore, #tpu.memory_space<semaphore_mem>>, %arg19: memref<!tpu.dma_semaphore, #tpu.memory_space<semaphore_mem>>, %arg20: memref<!tpu.dma_semaphore, #tpu.memory_space<semaphore_mem>>, %arg21: memref<!tpu.dma_semaphore, #tpu.memory_space<semaphore_mem>>) attributes {dimension_semantics = [#tpu.dimension_semantics<core_parallel>, #tpu.dimension_semantics<subcore_parallel>], iteration_bounds = array<i64: 2, 16>, scalar_prefetch = 0 : i64, scratch_operands = 12 : i64, tpu.core_type = #tpu.core_type<sc_vector_subcore>, window_params = [{transform_indices = #map}, {transform_indices = #map}, {transform_indices = #map}, {transform_indices = #map1}, {transform_indices = #map1}, {transform_indices = #map1}, {transform_indices = #map}, {transform_indices = #map}]} {
    %mul3A = arith.constant 2 : i32
    %mul3A_0 = arith.muli %arg1, %mul3A : i32
    %add3A = arith.addi %mul3A_0, %arg0 : i32
    %mul3A_1 = arith.constant 3136 : i32
    %mul3A_2 = arith.muli %add3A, %mul3A_1 : i32
    %mul3A_3 = arith.constant 32 : i32
    %mul3A_4 = arith.muli %add3A, %mul3A_3 : i32
    %dma_start3A = tpu.memref_slice %arg2[%mul3A_2] : memref<100352xf32, #tpu.memory_space<hbm>> -> memref<3136xf32, #tpu.memory_space<hbm>>
    %dma_start3A_5 = tpu.memref_slice %arg2[%mul3A_2] : memref<100352xf32, #tpu.memory_space<hbm>> -> memref<3136xf32, #tpu.memory_space<hbm>>
    tpu.enqueue_dma source(%dma_start3A_5 : memref<3136xf32, #tpu.memory_space<hbm>>) target(%arg10 : memref<3136xf32, #tpu.memory_space<vmem>>) target_semaphore(%arg18 : memref<!tpu.dma_semaphore, #tpu.memory_space<semaphore_mem>>)
    %dma_start3A_6 = arith.constant 0 : i32
    %dma_start3A_7 = arith.constant 0 : i32
    %dma_start3A_8 = tpu.memref_slice %arg5[%dma_start3A_6, %dma_start3A_7] : memref<1x128xf32, #tpu.memory_space<hbm>> -> memref<1x128xf32, #tpu.memory_space<hbm>>
    %dma_start3A_9 = tpu.memref_squeeze %dma_start3A_8 : memref<1x128xf32, #tpu.memory_space<hbm>> -> memref<128xf32, #tpu.memory_space<hbm>>
    %dma_start3A_10 = arith.constant 0 : i32
    %dma_start3A_11 = tpu.memref_slice %arg5[%dma_start3A_6, %dma_start3A_10] : memref<1x128xf32, #tpu.memory_space<hbm>> -> memref<1x128xf32, #tpu.memory_space<hbm>>
    %dma_start3A_12 = tpu.memref_squeeze %dma_start3A_11 : memref<1x128xf32, #tpu.memory_space<hbm>> -> memref<128xf32, #tpu.memory_space<hbm>>
    tpu.enqueue_dma source(%dma_start3A_12 : memref<128xf32, #tpu.memory_space<hbm>>) target(%arg14 : memref<128xf32, #tpu.memory_space<vmem>>) target_semaphore(%arg18 : memref<!tpu.dma_semaphore, #tpu.memory_space<semaphore_mem>>)
    %dma_start3A_13 = tpu.memref_slice %arg4[%mul3A_4] : memref<1024xi32, #tpu.memory_space<hbm>> -> memref<32xi32, #tpu.memory_space<hbm>>
    %dma_start3A_14 = tpu.memref_slice %arg4[%mul3A_4] : memref<1024xi32, #tpu.memory_space<hbm>> -> memref<32xi32, #tpu.memory_space<hbm>>
    tpu.enqueue_dma source(%dma_start3A_14 : memref<32xi32, #tpu.memory_space<hbm>>) target(%arg15 : memref<32xi32, #tpu.memory_space<vmem>>) target_semaphore(%arg19 : memref<!tpu.dma_semaphore, #tpu.memory_space<semaphore_mem>>)
    %broadcast_in_dim3A = arith.constant 0 : i32
    %broadcast_in_dim3A_15 = vector.broadcast %broadcast_in_dim3A : i32 to vector<16xi32>
    %lt3A = arith.constant 31 : i32
    %lt3A_16 = arith.cmpi slt, %add3A, %lt3A : i32
    %convert_element_type3A = arith.extui %lt3A_16 : i1 to i32
    %cond3A = arith.constant 0 : i32
    %cond3A_17 = arith.cmpi ne, %convert_element_type3A, %cond3A : i32
    scf.if %cond3A_17 {
      "tpu.region"() ({
        %run_scoped3A = tpu.sem_alloc : memref<!tpu.dma_semaphore, #tpu.memory_space<semaphore_mem>>
        %dma_start3A_344 = arith.constant 0 : i32
        %dma_start3A_345 = tpu.memref_slice %arg11[%dma_start3A_344] : memref<3152xi32, #tpu.memory_space<vmem>> -> memref<3136xi32, #tpu.memory_space<vmem>>
        %dma_start3A_346 = tpu.memref_slice %arg3[%mul3A_2] : memref<100000xi32, #tpu.memory_space<hbm>> -> memref<3136xi32, #tpu.memory_space<hbm>>
        %dma_start3A_347 = arith.constant 0 : i32
        %dma_start3A_348 = tpu.memref_slice %arg11[%dma_start3A_347] : memref<3152xi32, #tpu.memory_space<vmem>> -> memref<3136xi32, #tpu.memory_space<vmem>>
        %dma_start3A_349 = tpu.memref_slice %arg3[%mul3A_2] : memref<100000xi32, #tpu.memory_space<hbm>> -> memref<3136xi32, #tpu.memory_space<hbm>>
        tpu.enqueue_dma source(%dma_start3A_349 : memref<3136xi32, #tpu.memory_space<hbm>>) target(%dma_start3A_348 : memref<3136xi32, #tpu.memory_space<vmem>>) target_semaphore(%run_scoped3A : memref<!tpu.dma_semaphore, #tpu.memory_space<semaphore_mem>>)
        %dma_wait3A_350 = arith.constant 0 : i32
        %dma_wait3A_351 = tpu.memref_slice %arg11[%dma_wait3A_350] : memref<3152xi32, #tpu.memory_space<vmem>> -> memref<3136xi32, #tpu.memory_space<vmem>>
        %dma_wait3A_352 = tpu.memref_slice %arg3[%mul3A_2] : memref<100000xi32, #tpu.memory_space<hbm>> -> memref<3136xi32, #tpu.memory_space<hbm>>
        %dma_wait3A_353 = arith.constant 0 : i32
        %dma_wait3A_354 = tpu.memref_slice %arg11[%dma_wait3A_353] : memref<3152xi32, #tpu.memory_space<vmem>> -> memref<3136xi32, #tpu.memory_space<vmem>>
        %dma_wait3A_355 = tpu.memref_slice %arg3[%mul3A_2] : memref<100000xi32, #tpu.memory_space<hbm>> -> memref<3136xi32, #tpu.memory_space<hbm>>
        tpu.wait_dma2 semaphore(%run_scoped3A : memref<!tpu.dma_semaphore, #tpu.memory_space<semaphore_mem>>) src(%dma_wait3A_355 : memref<3136xi32, #tpu.memory_space<hbm>>) dst(%dma_wait3A_354 : memref<3136xi32, #tpu.memory_space<vmem>>)
        tpu.yield
      }) : () -> ()
    } else {
    }
    %eq3A = arith.constant 31 : i32
    %eq3A_18 = arith.cmpi eq, %add3A, %eq3A : i32
    %convert_element_type3A_19 = arith.extui %eq3A_18 : i1 to i32
    %cond3A_20 = arith.constant 0 : i32
    %cond3A_21 = arith.cmpi ne, %convert_element_type3A_19, %cond3A_20 : i32
    scf.if %cond3A_21 {
      %swap3A_344 = arith.constant 2784 : index
      %swap3A_345 = tpu.vector_load %arg11[%swap3A_344] {strides = array<i32>} : memref<3152xi32, #tpu.memory_space<vmem>>, vector<16xi32>,
      tpu.vector_store %arg11[%swap3A_344], %broadcast_in_dim3A_15 {strides = array<i32>} : memref<3152xi32, #tpu.memory_space<vmem>>, vector<16xi32>,
      %swap3A_346 = arith.constant 2800 : index
      %swap3A_347 = tpu.vector_load %arg11[%swap3A_346] {strides = array<i32>} : memref<3152xi32, #tpu.memory_space<vmem>>, vector<16xi32>,
      tpu.vector_store %arg11[%swap3A_346], %broadcast_in_dim3A_15 {strides = array<i32>} : memref<3152xi32, #tpu.memory_space<vmem>>, vector<16xi32>,
      %swap3A_348 = arith.constant 2816 : index
      %swap3A_349 = tpu.vector_load %arg11[%swap3A_348] {strides = array<i32>} : memref<3152xi32, #tpu.memory_space<vmem>>, vector<16xi32>,
      tpu.vector_store %arg11[%swap3A_348], %broadcast_in_dim3A_15 {strides = array<i32>} : memref<3152xi32, #tpu.memory_space<vmem>>, vector<16xi32>,
      %swap3A_350 = arith.constant 2832 : index
      %swap3A_351 = tpu.vector_load %arg11[%swap3A_350] {strides = array<i32>} : memref<3152xi32, #tpu.memory_space<vmem>>, vector<16xi32>,
      tpu.vector_store %arg11[%swap3A_350], %broadcast_in_dim3A_15 {strides = array<i32>} : memref<3152xi32, #tpu.memory_space<vmem>>, vector<16xi32>,
      %swap3A_352 = arith.constant 2848 : index
      %swap3A_353 = tpu.vector_load %arg11[%swap3A_352] {strides = array<i32>} : memref<3152xi32, #tpu.memory_space<vmem>>, vector<16xi32>,
      tpu.vector_store %arg11[%swap3A_352], %broadcast_in_dim3A_15 {strides = array<i32>} : memref<3152xi32, #tpu.memory_space<vmem>>, vector<16xi32>,
      %swap3A_354 = arith.constant 2864 : index
      %swap3A_355 = tpu.vector_load %arg11[%swap3A_354] {strides = array<i32>} : memref<3152xi32, #tpu.memory_space<vmem>>, vector<16xi32>,
      tpu.vector_store %arg11[%swap3A_354], %broadcast_in_dim3A_15 {strides = array<i32>} : memref<3152xi32, #tpu.memory_space<vmem>>, vector<16xi32>,
      %swap3A_356 = arith.constant 2880 : index
      %swap3A_357 = tpu.vector_load %arg11[%swap3A_356] {strides = array<i32>} : memref<3152xi32, #tpu.memory_space<vmem>>, vector<16xi32>,
      tpu.vector_store %arg11[%swap3A_356], %broadcast_in_dim3A_15 {strides = array<i32>} : memref<3152xi32, #tpu.memory_space<vmem>>, vector<16xi32>,
      %swap3A_358 = arith.constant 2896 : index
      %swap3A_359 = tpu.vector_load %arg11[%swap3A_358] {strides = array<i32>} : memref<3152xi32, #tpu.memory_space<vmem>>, vector<16xi32>,
      tpu.vector_store %arg11[%swap3A_358], %broadcast_in_dim3A_15 {strides = array<i32>} : memref<3152xi32, #tpu.memory_space<vmem>>, vector<16xi32>,
      %swap3A_360 = arith.constant 2912 : index
      %swap3A_361 = tpu.vector_load %arg11[%swap3A_360] {strides = array<i32>} : memref<3152xi32, #tpu.memory_space<vmem>>, vector<16xi32>,
      tpu.vector_store %arg11[%swap3A_360], %broadcast_in_dim3A_15 {strides = array<i32>} : memref<3152xi32, #tpu.memory_space<vmem>>, vector<16xi32>,
      %swap3A_362 = arith.constant 2928 : index
      %swap3A_363 = tpu.vector_load %arg11[%swap3A_362] {strides = array<i32>} : memref<3152xi32, #tpu.memory_space<vmem>>, vector<16xi32>,
      tpu.vector_store %arg11[%swap3A_362], %broadcast_in_dim3A_15 {strides = array<i32>} : memref<3152xi32, #tpu.memory_space<vmem>>, vector<16xi32>,
      %swap3A_364 = arith.constant 2944 : index
      %swap3A_365 = tpu.vector_load %arg11[%swap3A_364] {strides = array<i32>} : memref<3152xi32, #tpu.memory_space<vmem>>, vector<16xi32>,
      tpu.vector_store %arg11[%swap3A_364], %broadcast_in_dim3A_15 {strides = array<i32>} : memref<3152xi32, #tpu.memory_space<vmem>>, vector<16xi32>,
      %swap3A_366 = arith.constant 2960 : index
      %swap3A_367 = tpu.vector_load %arg11[%swap3A_366] {strides = array<i32>} : memref<3152xi32, #tpu.memory_space<vmem>>, vector<16xi32>,
      tpu.vector_store %arg11[%swap3A_366], %broadcast_in_dim3A_15 {strides = array<i32>} : memref<3152xi32, #tpu.memory_space<vmem>>, vector<16xi32>,
      %swap3A_368 = arith.constant 2976 : index
      %swap3A_369 = tpu.vector_load %arg11[%swap3A_368] {strides = array<i32>} : memref<3152xi32, #tpu.memory_space<vmem>>, vector<16xi32>,
      tpu.vector_store %arg11[%swap3A_368], %broadcast_in_dim3A_15 {strides = array<i32>} : memref<3152xi32, #tpu.memory_space<vmem>>, vector<16xi32>,
      %swap3A_370 = arith.constant 2992 : index
      %swap3A_371 = tpu.vector_load %arg11[%swap3A_370] {strides = array<i32>} : memref<3152xi32, #tpu.memory_space<vmem>>, vector<16xi32>,
      tpu.vector_store %arg11[%swap3A_370], %broadcast_in_dim3A_15 {strides = array<i32>} : memref<3152xi32, #tpu.memory_space<vmem>>, vector<16xi32>,
      %swap3A_372 = arith.constant 3008 : index
      %swap3A_373 = tpu.vector_load %arg11[%swap3A_372] {strides = array<i32>} : memref<3152xi32, #tpu.memory_space<vmem>>, vector<16xi32>,
      tpu.vector_store %arg11[%swap3A_372], %broadcast_in_dim3A_15 {strides = array<i32>} : memref<3152xi32, #tpu.memory_space<vmem>>, vector<16xi32>,
      %swap3A_374 = arith.constant 3024 : index
      %swap3A_375 = tpu.vector_load %arg11[%swap3A_374] {strides = array<i32>} : memref<3152xi32, #tpu.memory_space<vmem>>, vector<16xi32>,
      tpu.vector_store %arg11[%swap3A_374], %broadcast_in_dim3A_15 {strides = array<i32>} : memref<3152xi32, #tpu.memory_space<vmem>>, vector<16xi32>,
      %swap3A_376 = arith.constant 3040 : index
      %swap3A_377 = tpu.vector_load %arg11[%swap3A_376] {strides = array<i32>} : memref<3152xi32, #tpu.memory_space<vmem>>, vector<16xi32>,
      tpu.vector_store %arg11[%swap3A_376], %broadcast_in_dim3A_15 {strides = array<i32>} : memref<3152xi32, #tpu.memory_space<vmem>>, vector<16xi32>,
      %swap3A_378 = arith.constant 3056 : index
      %swap3A_379 = tpu.vector_load %arg11[%swap3A_378] {strides = array<i32>} : memref<3152xi32, #tpu.memory_space<vmem>>, vector<16xi32>,
      tpu.vector_store %arg11[%swap3A_378], %broadcast_in_dim3A_15 {strides = array<i32>} : memref<3152xi32, #tpu.memory_space<vmem>>, vector<16xi32>,
      %swap3A_380 = arith.constant 3072 : index
      %swap3A_381 = tpu.vector_load %arg11[%swap3A_380] {strides = array<i32>} : memref<3152xi32, #tpu.memory_space<vmem>>, vector<16xi32>,
      tpu.vector_store %arg11[%swap3A_380], %broadcast_in_dim3A_15 {strides = array<i32>} : memref<3152xi32, #tpu.memory_space<vmem>>, vector<16xi32>,
      %swap3A_382 = arith.constant 3088 : index
      %swap3A_383 = tpu.vector_load %arg11[%swap3A_382] {strides = array<i32>} : memref<3152xi32, #tpu.memory_space<vmem>>, vector<16xi32>,
      tpu.vector_store %arg11[%swap3A_382], %broadcast_in_dim3A_15 {strides = array<i32>} : memref<3152xi32, #tpu.memory_space<vmem>>, vector<16xi32>,
      %swap3A_384 = arith.constant 3104 : index
      %swap3A_385 = tpu.vector_load %arg11[%swap3A_384] {strides = array<i32>} : memref<3152xi32, #tpu.memory_space<vmem>>, vector<16xi32>,
      tpu.vector_store %arg11[%swap3A_384], %broadcast_in_dim3A_15 {strides = array<i32>} : memref<3152xi32, #tpu.memory_space<vmem>>, vector<16xi32>,
      %swap3A_386 = arith.constant 3120 : index
      %swap3A_387 = tpu.vector_load %arg11[%swap3A_386] {strides = array<i32>} : memref<3152xi32, #tpu.memory_space<vmem>>, vector<16xi32>,
      tpu.vector_store %arg11[%swap3A_386], %broadcast_in_dim3A_15 {strides = array<i32>} : memref<3152xi32, #tpu.memory_space<vmem>>, vector<16xi32>,
      "tpu.region"() ({
        %run_scoped3A = tpu.sem_alloc : memref<!tpu.dma_semaphore, #tpu.memory_space<semaphore_mem>>
        %dma_start3A_388 = arith.constant 0 : i32
        %dma_start3A_389 = tpu.memref_slice %arg11[%dma_start3A_388] : memref<3152xi32, #tpu.memory_space<vmem>> -> memref<2784xi32, #tpu.memory_space<vmem>>
        %dma_start3A_390 = arith.constant 97216 : i32
        %dma_start3A_391 = tpu.memref_slice %arg3[%dma_start3A_390] : memref<100000xi32, #tpu.memory_space<hbm>> -> memref<2784xi32, #tpu.memory_space<hbm>>
        %dma_start3A_392 = arith.constant 0 : i32
        %dma_start3A_393 = tpu.memref_slice %arg11[%dma_start3A_392] : memref<3152xi32, #tpu.memory_space<vmem>> -> memref<2784xi32, #tpu.memory_space<vmem>>
        %dma_start3A_394 = arith.constant 97216 : i32
        %dma_start3A_395 = tpu.memref_slice %arg3[%dma_start3A_394] : memref<100000xi32, #tpu.memory_space<hbm>> -> memref<2784xi32, #tpu.memory_space<hbm>>
        tpu.enqueue_dma source(%dma_start3A_395 : memref<2784xi32, #tpu.memory_space<hbm>>) target(%dma_start3A_393 : memref<2784xi32, #tpu.memory_space<vmem>>) target_semaphore(%run_scoped3A : memref<!tpu.dma_semaphore, #tpu.memory_space<semaphore_mem>>)
        %dma_wait3A_396 = arith.constant 0 : i32
        %dma_wait3A_397 = tpu.memref_slice %arg11[%dma_wait3A_396] : memref<3152xi32, #tpu.memory_space<vmem>> -> memref<2784xi32, #tpu.memory_space<vmem>>
        %dma_wait3A_398 = arith.constant 97216 : i32
        %dma_wait3A_399 = tpu.memref_slice %arg3[%dma_wait3A_398] : memref<100000xi32, #tpu.memory_space<hbm>> -> memref<2784xi32, #tpu.memory_space<hbm>>
        %dma_wait3A_400 = arith.constant 0 : i32
        %dma_wait3A_401 = tpu.memref_slice %arg11[%dma_wait3A_400] : memref<3152xi32, #tpu.memory_space<vmem>> -> memref<2784xi32, #tpu.memory_space<vmem>>
        %dma_wait3A_402 = arith.constant 97216 : i32
        %dma_wait3A_403 = tpu.memref_slice %arg3[%dma_wait3A_402] : memref<100000xi32, #tpu.memory_space<hbm>> -> memref<2784xi32, #tpu.memory_space<hbm>>
        tpu.wait_dma2 semaphore(%run_scoped3A : memref<!tpu.dma_semaphore, #tpu.memory_space<semaphore_mem>>) src(%dma_wait3A_403 : memref<2784xi32, #tpu.memory_space<hbm>>) dst(%dma_wait3A_401 : memref<2784xi32, #tpu.memory_space<vmem>>)
        tpu.yield
      }) : () -> ()
    } else {
    }
    %broadcast_in_dim3A_22 = arith.constant -1 : i32
    %broadcast_in_dim3A_23 = vector.broadcast %broadcast_in_dim3A_22 : i32 to vector<16xi32>
    %swap3A = arith.constant 3136 : index
    %swap3A_24 = tpu.vector_load %arg11[%swap3A] {strides = array<i32>} : memref<3152xi32, #tpu.memory_space<vmem>>, vector<16xi32>,
    tpu.vector_store %arg11[%swap3A], %broadcast_in_dim3A_23 {strides = array<i32>} : memref<3152xi32, #tpu.memory_space<vmem>>, vector<16xi32>,
    %broadcast_in_dim3A_25 = arith.constant 0.000000e+00 : f32
    %broadcast_in_dim3A_26 = vector.broadcast %broadcast_in_dim3A_25 : f32 to vector<16xf32>
    %swap3A_27 = arith.constant 0 : index
    %swap3A_28 = tpu.vector_load %arg12[%swap3A_27] {strides = array<i32>} : memref<1024xf32, #tpu.memory_space<vmem>>, vector<16xf32>,
    tpu.vector_store %arg12[%swap3A_27], %broadcast_in_dim3A_26 {strides = array<i32>} : memref<1024xf32, #tpu.memory_space<vmem>>, vector<16xf32>,
    %swap3A_29 = arith.constant 0 : index
    %swap3A_30 = tpu.vector_load %arg13[%swap3A_29] {strides = array<i32>} : memref<1024xf32, #tpu.memory_space<vmem>>, vector<16xf32>,
    tpu.vector_store %arg13[%swap3A_29], %broadcast_in_dim3A_26 {strides = array<i32>} : memref<1024xf32, #tpu.memory_space<vmem>>, vector<16xf32>,
    %swap3A_31 = arith.constant 16 : index
    %swap3A_32 = tpu.vector_load %arg12[%swap3A_31] {strides = array<i32>} : memref<1024xf32, #tpu.memory_space<vmem>>, vector<16xf32>,
    tpu.vector_store %arg12[%swap3A_31], %broadcast_in_dim3A_26 {strides = array<i32>} : memref<1024xf32, #tpu.memory_space<vmem>>, vector<16xf32>,
    %swap3A_33 = arith.constant 16 : index
    %swap3A_34 = tpu.vector_load %arg13[%swap3A_33] {strides = array<i32>} : memref<1024xf32, #tpu.memory_space<vmem>>, vector<16xf32>,
    tpu.vector_store %arg13[%swap3A_33], %broadcast_in_dim3A_26 {strides = array<i32>} : memref<1024xf32, #tpu.memory_space<vmem>>, vector<16xf32>,
    %swap3A_35 = arith.constant 32 : index
    %swap3A_36 = tpu.vector_load %arg12[%swap3A_35] {strides = array<i32>} : memref<1024xf32, #tpu.memory_space<vmem>>, vector<16xf32>,
    tpu.vector_store %arg12[%swap3A_35], %broadcast_in_dim3A_26 {strides = array<i32>} : memref<1024xf32, #tpu.memory_space<vmem>>, vector<16xf32>,
    %swap3A_37 = arith.constant 32 : index
    %swap3A_38 = tpu.vector_load %arg13[%swap3A_37] {strides = array<i32>} : memref<1024xf32, #tpu.memory_space<vmem>>, vector<16xf32>,
    tpu.vector_store %arg13[%swap3A_37], %broadcast_in_dim3A_26 {strides = array<i32>} : memref<1024xf32, #tpu.memory_space<vmem>>, vector<16xf32>,
    %swap3A_39 = arith.constant 48 : index
    %swap3A_40 = tpu.vector_load %arg12[%swap3A_39] {strides = array<i32>} : memref<1024xf32, #tpu.memory_space<vmem>>, vector<16xf32>,
    tpu.vector_store %arg12[%swap3A_39], %broadcast_in_dim3A_26 {strides = array<i32>} : memref<1024xf32, #tpu.memory_space<vmem>>, vector<16xf32>,
    %swap3A_41 = arith.constant 48 : index
    %swap3A_42 = tpu.vector_load %arg13[%swap3A_41] {strides = array<i32>} : memref<1024xf32, #tpu.memory_space<vmem>>, vector<16xf32>,
    tpu.vector_store %arg13[%swap3A_41], %broadcast_in_dim3A_26 {strides = array<i32>} : memref<1024xf32, #tpu.memory_space<vmem>>, vector<16xf32>,
    %swap3A_43 = arith.constant 64 : index
    %swap3A_44 = tpu.vector_load %arg12[%swap3A_43] {strides = array<i32>} : memref<1024xf32, #tpu.memory_space<vmem>>, vector<16xf32>,
    tpu.vector_store %arg12[%swap3A_43], %broadcast_in_dim3A_26 {strides = array<i32>} : memref<1024xf32, #tpu.memory_space<vmem>>, vector<16xf32>,
    %swap3A_45 = arith.constant 64 : index
    %swap3A_46 = tpu.vector_load %arg13[%swap3A_45] {strides = array<i32>} : memref<1024xf32, #tpu.memory_space<vmem>>, vector<16xf32>,
    tpu.vector_store %arg13[%swap3A_45], %broadcast_in_dim3A_26 {strides = array<i32>} : memref<1024xf32, #tpu.memory_space<vmem>>, vector<16xf32>,
    %swap3A_47 = arith.constant 80 : index
    %swap3A_48 = tpu.vector_load %arg12[%swap3A_47] {strides = array<i32>} : memref<1024xf32, #tpu.memory_space<vmem>>, vector<16xf32>,
    tpu.vector_store %arg12[%swap3A_47], %broadcast_in_dim3A_26 {strides = array<i32>} : memref<1024xf32, #tpu.memory_space<vmem>>, vector<16xf32>,
    %swap3A_49 = arith.constant 80 : index
    %swap3A_50 = tpu.vector_load %arg13[%swap3A_49] {strides = array<i32>} : memref<1024xf32, #tpu.memory_space<vmem>>, vector<16xf32>,
    tpu.vector_store %arg13[%swap3A_49], %broadcast_in_dim3A_26 {strides = array<i32>} : memref<1024xf32, #tpu.memory_space<vmem>>, vector<16xf32>,
    %swap3A_51 = arith.constant 96 : index
    %swap3A_52 = tpu.vector_load %arg12[%swap3A_51] {strides = array<i32>} : memref<1024xf32, #tpu.memory_space<vmem>>, vector<16xf32>,
    tpu.vector_store %arg12[%swap3A_51], %broadcast_in_dim3A_26 {strides = array<i32>} : memref<1024xf32, #tpu.memory_space<vmem>>, vector<16xf32>,
    %swap3A_53 = arith.constant 96 : index
    %swap3A_54 = tpu.vector_load %arg13[%swap3A_53] {strides = array<i32>} : memref<1024xf32, #tpu.memory_space<vmem>>, vector<16xf32>,
    tpu.vector_store %arg13[%swap3A_53], %broadcast_in_dim3A_26 {strides = array<i32>} : memref<1024xf32, #tpu.memory_space<vmem>>, vector<16xf32>,
    %swap3A_55 = arith.constant 112 : index
    %swap3A_56 = tpu.vector_load %arg12[%swap3A_55] {strides = array<i32>} : memref<1024xf32, #tpu.memory_space<vmem>>, vector<16xf32>,
    tpu.vector_store %arg12[%swap3A_55], %broadcast_in_dim3A_26 {strides = array<i32>} : memref<1024xf32, #tpu.memory_space<vmem>>, vector<16xf32>,
    %swap3A_57 = arith.constant 112 : index
    %swap3A_58 = tpu.vector_load %arg13[%swap3A_57] {strides = array<i32>} : memref<1024xf32, #tpu.memory_space<vmem>>, vector<16xf32>,
    tpu.vector_store %arg13[%swap3A_57], %broadcast_in_dim3A_26 {strides = array<i32>} : memref<1024xf32, #tpu.memory_space<vmem>>, vector<16xf32>,
    %swap3A_59 = arith.constant 128 : index
    %swap3A_60 = tpu.vector_load %arg12[%swap3A_59] {strides = array<i32>} : memref<1024xf32, #tpu.memory_space<vmem>>, vector<16xf32>,
    tpu.vector_store %arg12[%swap3A_59], %broadcast_in_dim3A_26 {strides = array<i32>} : memref<1024xf32, #tpu.memory_space<vmem>>, vector<16xf32>,
    %swap3A_61 = arith.constant 128 : index
    %swap3A_62 = tpu.vector_load %arg13[%swap3A_61] {strides = array<i32>} : memref<1024xf32, #tpu.memory_space<vmem>>, vector<16xf32>,
    tpu.vector_store %arg13[%swap3A_61], %broadcast_in_dim3A_26 {strides = array<i32>} : memref<1024xf32, #tpu.memory_space<vmem>>, vector<16xf32>,
    %swap3A_63 = arith.constant 144 : index
    %swap3A_64 = tpu.vector_load %arg12[%swap3A_63] {strides = array<i32>} : memref<1024xf32, #tpu.memory_space<vmem>>, vector<16xf32>,
    tpu.vector_store %arg12[%swap3A_63], %broadcast_in_dim3A_26 {strides = array<i32>} : memref<1024xf32, #tpu.memory_space<vmem>>, vector<16xf32>,
    %swap3A_65 = arith.constant 144 : index
    %swap3A_66 = tpu.vector_load %arg13[%swap3A_65] {strides = array<i32>} : memref<1024xf32, #tpu.memory_space<vmem>>, vector<16xf32>,
    tpu.vector_store %arg13[%swap3A_65], %broadcast_in_dim3A_26 {strides = array<i32>} : memref<1024xf32, #tpu.memory_space<vmem>>, vector<16xf32>,
    %swap3A_67 = arith.constant 160 : index
    %swap3A_68 = tpu.vector_load %arg12[%swap3A_67] {strides = array<i32>} : memref<1024xf32, #tpu.memory_space<vmem>>, vector<16xf32>,
    tpu.vector_store %arg12[%swap3A_67], %broadcast_in_dim3A_26 {strides = array<i32>} : memref<1024xf32, #tpu.memory_space<vmem>>, vector<16xf32>,
    %swap3A_69 = arith.constant 160 : index
    %swap3A_70 = tpu.vector_load %arg13[%swap3A_69] {strides = array<i32>} : memref<1024xf32, #tpu.memory_space<vmem>>, vector<16xf32>,
    tpu.vector_store %arg13[%swap3A_69], %broadcast_in_dim3A_26 {strides = array<i32>} : memref<1024xf32, #tpu.memory_space<vmem>>, vector<16xf32>,
    %swap3A_71 = arith.constant 176 : index
    %swap3A_72 = tpu.vector_load %arg12[%swap3A_71] {strides = array<i32>} : memref<1024xf32, #tpu.memory_space<vmem>>, vector<16xf32>,
    tpu.vector_store %arg12[%swap3A_71], %broadcast_in_dim3A_26 {strides = array<i32>} : memref<1024xf32, #tpu.memory_space<vmem>>, vector<16xf32>,
    %swap3A_73 = arith.constant 176 : index
    %swap3A_74 = tpu.vector_load %arg13[%swap3A_73] {strides = array<i32>} : memref<1024xf32, #tpu.memory_space<vmem>>, vector<16xf32>,
    tpu.vector_store %arg13[%swap3A_73], %broadcast_in_dim3A_26 {strides = array<i32>} : memref<1024xf32, #tpu.memory_space<vmem>>, vector<16xf32>,
    %swap3A_75 = arith.constant 192 : index
    %swap3A_76 = tpu.vector_load %arg12[%swap3A_75] {strides = array<i32>} : memref<1024xf32, #tpu.memory_space<vmem>>, vector<16xf32>,
    tpu.vector_store %arg12[%swap3A_75], %broadcast_in_dim3A_26 {strides = array<i32>} : memref<1024xf32, #tpu.memory_space<vmem>>, vector<16xf32>,
    %swap3A_77 = arith.constant 192 : index
    %swap3A_78 = tpu.vector_load %arg13[%swap3A_77] {strides = array<i32>} : memref<1024xf32, #tpu.memory_space<vmem>>, vector<16xf32>,
    tpu.vector_store %arg13[%swap3A_77], %broadcast_in_dim3A_26 {strides = array<i32>} : memref<1024xf32, #tpu.memory_space<vmem>>, vector<16xf32>,
    %swap3A_79 = arith.constant 208 : index
    %swap3A_80 = tpu.vector_load %arg12[%swap3A_79] {strides = array<i32>} : memref<1024xf32, #tpu.memory_space<vmem>>, vector<16xf32>,
    tpu.vector_store %arg12[%swap3A_79], %broadcast_in_dim3A_26 {strides = array<i32>} : memref<1024xf32, #tpu.memory_space<vmem>>, vector<16xf32>,
    %swap3A_81 = arith.constant 208 : index
    %swap3A_82 = tpu.vector_load %arg13[%swap3A_81] {strides = array<i32>} : memref<1024xf32, #tpu.memory_space<vmem>>, vector<16xf32>,
    tpu.vector_store %arg13[%swap3A_81], %broadcast_in_dim3A_26 {strides = array<i32>} : memref<1024xf32, #tpu.memory_space<vmem>>, vector<16xf32>,
    %swap3A_83 = arith.constant 224 : index
    %swap3A_84 = tpu.vector_load %arg12[%swap3A_83] {strides = array<i32>} : memref<1024xf32, #tpu.memory_space<vmem>>, vector<16xf32>,
    tpu.vector_store %arg12[%swap3A_83], %broadcast_in_dim3A_26 {strides = array<i32>} : memref<1024xf32, #tpu.memory_space<vmem>>, vector<16xf32>,
    %swap3A_85 = arith.constant 224 : index
    %swap3A_86 = tpu.vector_load %arg13[%swap3A_85] {strides = array<i32>} : memref<1024xf32, #tpu.memory_space<vmem>>, vector<16xf32>,
    tpu.vector_store %arg13[%swap3A_85], %broadcast_in_dim3A_26 {strides = array<i32>} : memref<1024xf32, #tpu.memory_space<vmem>>, vector<16xf32>,
    %swap3A_87 = arith.constant 240 : index
    %swap3A_88 = tpu.vector_load %arg12[%swap3A_87] {strides = array<i32>} : memref<1024xf32, #tpu.memory_space<vmem>>, vector<16xf32>,
    tpu.vector_store %arg12[%swap3A_87], %broadcast_in_dim3A_26 {strides = array<i32>} : memref<1024xf32, #tpu.memory_space<vmem>>, vector<16xf32>,
    %swap3A_89 = arith.constant 240 : index
    %swap3A_90 = tpu.vector_load %arg13[%swap3A_89] {strides = array<i32>} : memref<1024xf32, #tpu.memory_space<vmem>>, vector<16xf32>,
    tpu.vector_store %arg13[%swap3A_89], %broadcast_in_dim3A_26 {strides = array<i32>} : memref<1024xf32, #tpu.memory_space<vmem>>, vector<16xf32>,
    %swap3A_91 = arith.constant 256 : index
    %swap3A_92 = tpu.vector_load %arg12[%swap3A_91] {strides = array<i32>} : memref<1024xf32, #tpu.memory_space<vmem>>, vector<16xf32>,
    tpu.vector_store %arg12[%swap3A_91], %broadcast_in_dim3A_26 {strides = array<i32>} : memref<1024xf32, #tpu.memory_space<vmem>>, vector<16xf32>,
    %swap3A_93 = arith.constant 256 : index
    %swap3A_94 = tpu.vector_load %arg13[%swap3A_93] {strides = array<i32>} : memref<1024xf32, #tpu.memory_space<vmem>>, vector<16xf32>,
    tpu.vector_store %arg13[%swap3A_93], %broadcast_in_dim3A_26 {strides = array<i32>} : memref<1024xf32, #tpu.memory_space<vmem>>, vector<16xf32>,
    %swap3A_95 = arith.constant 272 : index
    %swap3A_96 = tpu.vector_load %arg12[%swap3A_95] {strides = array<i32>} : memref<1024xf32, #tpu.memory_space<vmem>>, vector<16xf32>,
    tpu.vector_store %arg12[%swap3A_95], %broadcast_in_dim3A_26 {strides = array<i32>} : memref<1024xf32, #tpu.memory_space<vmem>>, vector<16xf32>,
    %swap3A_97 = arith.constant 272 : index
    %swap3A_98 = tpu.vector_load %arg13[%swap3A_97] {strides = array<i32>} : memref<1024xf32, #tpu.memory_space<vmem>>, vector<16xf32>,
    tpu.vector_store %arg13[%swap3A_97], %broadcast_in_dim3A_26 {strides = array<i32>} : memref<1024xf32, #tpu.memory_space<vmem>>, vector<16xf32>,
    %swap3A_99 = arith.constant 288 : index
    %swap3A_100 = tpu.vector_load %arg12[%swap3A_99] {strides = array<i32>} : memref<1024xf32, #tpu.memory_space<vmem>>, vector<16xf32>,
    tpu.vector_store %arg12[%swap3A_99], %broadcast_in_dim3A_26 {strides = array<i32>} : memref<1024xf32, #tpu.memory_space<vmem>>, vector<16xf32>,
    %swap3A_101 = arith.constant 288 : index
    %swap3A_102 = tpu.vector_load %arg13[%swap3A_101] {strides = array<i32>} : memref<1024xf32, #tpu.memory_space<vmem>>, vector<16xf32>,
    tpu.vector_store %arg13[%swap3A_101], %broadcast_in_dim3A_26 {strides = array<i32>} : memref<1024xf32, #tpu.memory_space<vmem>>, vector<16xf32>,
    %swap3A_103 = arith.constant 304 : index
    %swap3A_104 = tpu.vector_load %arg12[%swap3A_103] {strides = array<i32>} : memref<1024xf32, #tpu.memory_space<vmem>>, vector<16xf32>,
    tpu.vector_store %arg12[%swap3A_103], %broadcast_in_dim3A_26 {strides = array<i32>} : memref<1024xf32, #tpu.memory_space<vmem>>, vector<16xf32>,
    %swap3A_105 = arith.constant 304 : index
    %swap3A_106 = tpu.vector_load %arg13[%swap3A_105] {strides = array<i32>} : memref<1024xf32, #tpu.memory_space<vmem>>, vector<16xf32>,
    tpu.vector_store %arg13[%swap3A_105], %broadcast_in_dim3A_26 {strides = array<i32>} : memref<1024xf32, #tpu.memory_space<vmem>>, vector<16xf32>,
    %swap3A_107 = arith.constant 320 : index
    %swap3A_108 = tpu.vector_load %arg12[%swap3A_107] {strides = array<i32>} : memref<1024xf32, #tpu.memory_space<vmem>>, vector<16xf32>,
    tpu.vector_store %arg12[%swap3A_107], %broadcast_in_dim3A_26 {strides = array<i32>} : memref<1024xf32, #tpu.memory_space<vmem>>, vector<16xf32>,
    %swap3A_109 = arith.constant 320 : index
    %swap3A_110 = tpu.vector_load %arg13[%swap3A_109] {strides = array<i32>} : memref<1024xf32, #tpu.memory_space<vmem>>, vector<16xf32>,
    tpu.vector_store %arg13[%swap3A_109], %broadcast_in_dim3A_26 {strides = array<i32>} : memref<1024xf32, #tpu.memory_space<vmem>>, vector<16xf32>,
    %swap3A_111 = arith.constant 336 : index
    %swap3A_112 = tpu.vector_load %arg12[%swap3A_111] {strides = array<i32>} : memref<1024xf32, #tpu.memory_space<vmem>>, vector<16xf32>,
    tpu.vector_store %arg12[%swap3A_111], %broadcast_in_dim3A_26 {strides = array<i32>} : memref<1024xf32, #tpu.memory_space<vmem>>, vector<16xf32>,
    %swap3A_113 = arith.constant 336 : index
    %swap3A_114 = tpu.vector_load %arg13[%swap3A_113] {strides = array<i32>} : memref<1024xf32, #tpu.memory_space<vmem>>, vector<16xf32>,
    tpu.vector_store %arg13[%swap3A_113], %broadcast_in_dim3A_26 {strides = array<i32>} : memref<1024xf32, #tpu.memory_space<vmem>>, vector<16xf32>,
    %swap3A_115 = arith.constant 352 : index
    %swap3A_116 = tpu.vector_load %arg12[%swap3A_115] {strides = array<i32>} : memref<1024xf32, #tpu.memory_space<vmem>>, vector<16xf32>,
    tpu.vector_store %arg12[%swap3A_115], %broadcast_in_dim3A_26 {strides = array<i32>} : memref<1024xf32, #tpu.memory_space<vmem>>, vector<16xf32>,
    %swap3A_117 = arith.constant 352 : index
    %swap3A_118 = tpu.vector_load %arg13[%swap3A_117] {strides = array<i32>} : memref<1024xf32, #tpu.memory_space<vmem>>, vector<16xf32>,
    tpu.vector_store %arg13[%swap3A_117], %broadcast_in_dim3A_26 {strides = array<i32>} : memref<1024xf32, #tpu.memory_space<vmem>>, vector<16xf32>,
    %swap3A_119 = arith.constant 368 : index
    %swap3A_120 = tpu.vector_load %arg12[%swap3A_119] {strides = array<i32>} : memref<1024xf32, #tpu.memory_space<vmem>>, vector<16xf32>,
    tpu.vector_store %arg12[%swap3A_119], %broadcast_in_dim3A_26 {strides = array<i32>} : memref<1024xf32, #tpu.memory_space<vmem>>, vector<16xf32>,
    %swap3A_121 = arith.constant 368 : index
    %swap3A_122 = tpu.vector_load %arg13[%swap3A_121] {strides = array<i32>} : memref<1024xf32, #tpu.memory_space<vmem>>, vector<16xf32>,
    tpu.vector_store %arg13[%swap3A_121], %broadcast_in_dim3A_26 {strides = array<i32>} : memref<1024xf32, #tpu.memory_space<vmem>>, vector<16xf32>,
    %swap3A_123 = arith.constant 384 : index
    %swap3A_124 = tpu.vector_load %arg12[%swap3A_123] {strides = array<i32>} : memref<1024xf32, #tpu.memory_space<vmem>>, vector<16xf32>,
    tpu.vector_store %arg12[%swap3A_123], %broadcast_in_dim3A_26 {strides = array<i32>} : memref<1024xf32, #tpu.memory_space<vmem>>, vector<16xf32>,
    %swap3A_125 = arith.constant 384 : index
    %swap3A_126 = tpu.vector_load %arg13[%swap3A_125] {strides = array<i32>} : memref<1024xf32, #tpu.memory_space<vmem>>, vector<16xf32>,
    tpu.vector_store %arg13[%swap3A_125], %broadcast_in_dim3A_26 {strides = array<i32>} : memref<1024xf32, #tpu.memory_space<vmem>>, vector<16xf32>,
    %swap3A_127 = arith.constant 400 : index
    %swap3A_128 = tpu.vector_load %arg12[%swap3A_127] {strides = array<i32>} : memref<1024xf32, #tpu.memory_space<vmem>>, vector<16xf32>,
    tpu.vector_store %arg12[%swap3A_127], %broadcast_in_dim3A_26 {strides = array<i32>} : memref<1024xf32, #tpu.memory_space<vmem>>, vector<16xf32>,
    %swap3A_129 = arith.constant 400 : index
    %swap3A_130 = tpu.vector_load %arg13[%swap3A_129] {strides = array<i32>} : memref<1024xf32, #tpu.memory_space<vmem>>, vector<16xf32>,
    tpu.vector_store %arg13[%swap3A_129], %broadcast_in_dim3A_26 {strides = array<i32>} : memref<1024xf32, #tpu.memory_space<vmem>>, vector<16xf32>,
    %swap3A_131 = arith.constant 416 : index
    %swap3A_132 = tpu.vector_load %arg12[%swap3A_131] {strides = array<i32>} : memref<1024xf32, #tpu.memory_space<vmem>>, vector<16xf32>,
    tpu.vector_store %arg12[%swap3A_131], %broadcast_in_dim3A_26 {strides = array<i32>} : memref<1024xf32, #tpu.memory_space<vmem>>, vector<16xf32>,
    %swap3A_133 = arith.constant 416 : index
    %swap3A_134 = tpu.vector_load %arg13[%swap3A_133] {strides = array<i32>} : memref<1024xf32, #tpu.memory_space<vmem>>, vector<16xf32>,
    tpu.vector_store %arg13[%swap3A_133], %broadcast_in_dim3A_26 {strides = array<i32>} : memref<1024xf32, #tpu.memory_space<vmem>>, vector<16xf32>,
    %swap3A_135 = arith.constant 432 : index
    %swap3A_136 = tpu.vector_load %arg12[%swap3A_135] {strides = array<i32>} : memref<1024xf32, #tpu.memory_space<vmem>>, vector<16xf32>,
    tpu.vector_store %arg12[%swap3A_135], %broadcast_in_dim3A_26 {strides = array<i32>} : memref<1024xf32, #tpu.memory_space<vmem>>, vector<16xf32>,
    %swap3A_137 = arith.constant 432 : index
    %swap3A_138 = tpu.vector_load %arg13[%swap3A_137] {strides = array<i32>} : memref<1024xf32, #tpu.memory_space<vmem>>, vector<16xf32>,
    tpu.vector_store %arg13[%swap3A_137], %broadcast_in_dim3A_26 {strides = array<i32>} : memref<1024xf32, #tpu.memory_space<vmem>>, vector<16xf32>,
    %swap3A_139 = arith.constant 448 : index
    %swap3A_140 = tpu.vector_load %arg12[%swap3A_139] {strides = array<i32>} : memref<1024xf32, #tpu.memory_space<vmem>>, vector<16xf32>,
    tpu.vector_store %arg12[%swap3A_139], %broadcast_in_dim3A_26 {strides = array<i32>} : memref<1024xf32, #tpu.memory_space<vmem>>, vector<16xf32>,
    %swap3A_141 = arith.constant 448 : index
    %swap3A_142 = tpu.vector_load %arg13[%swap3A_141] {strides = array<i32>} : memref<1024xf32, #tpu.memory_space<vmem>>, vector<16xf32>,
    tpu.vector_store %arg13[%swap3A_141], %broadcast_in_dim3A_26 {strides = array<i32>} : memref<1024xf32, #tpu.memory_space<vmem>>, vector<16xf32>,
    %swap3A_143 = arith.constant 464 : index
    %swap3A_144 = tpu.vector_load %arg12[%swap3A_143] {strides = array<i32>} : memref<1024xf32, #tpu.memory_space<vmem>>, vector<16xf32>,
    tpu.vector_store %arg12[%swap3A_143], %broadcast_in_dim3A_26 {strides = array<i32>} : memref<1024xf32, #tpu.memory_space<vmem>>, vector<16xf32>,
    %swap3A_145 = arith.constant 464 : index
    %swap3A_146 = tpu.vector_load %arg13[%swap3A_145] {strides = array<i32>} : memref<1024xf32, #tpu.memory_space<vmem>>, vector<16xf32>,
    tpu.vector_store %arg13[%swap3A_145], %broadcast_in_dim3A_26 {strides = array<i32>} : memref<1024xf32, #tpu.memory_space<vmem>>, vector<16xf32>,
    %swap3A_147 = arith.constant 480 : index
    %swap3A_148 = tpu.vector_load %arg12[%swap3A_147] {strides = array<i32>} : memref<1024xf32, #tpu.memory_space<vmem>>, vector<16xf32>,
    tpu.vector_store %arg12[%swap3A_147], %broadcast_in_dim3A_26 {strides = array<i32>} : memref<1024xf32, #tpu.memory_space<vmem>>, vector<16xf32>,
    %swap3A_149 = arith.constant 480 : index
    %swap3A_150 = tpu.vector_load %arg13[%swap3A_149] {strides = array<i32>} : memref<1024xf32, #tpu.memory_space<vmem>>, vector<16xf32>,
    tpu.vector_store %arg13[%swap3A_149], %broadcast_in_dim3A_26 {strides = array<i32>} : memref<1024xf32, #tpu.memory_space<vmem>>, vector<16xf32>,
    %swap3A_151 = arith.constant 496 : index
    %swap3A_152 = tpu.vector_load %arg12[%swap3A_151] {strides = array<i32>} : memref<1024xf32, #tpu.memory_space<vmem>>, vector<16xf32>,
    tpu.vector_store %arg12[%swap3A_151], %broadcast_in_dim3A_26 {strides = array<i32>} : memref<1024xf32, #tpu.memory_space<vmem>>, vector<16xf32>,
    %swap3A_153 = arith.constant 496 : index
    %swap3A_154 = tpu.vector_load %arg13[%swap3A_153] {strides = array<i32>} : memref<1024xf32, #tpu.memory_space<vmem>>, vector<16xf32>,
    tpu.vector_store %arg13[%swap3A_153], %broadcast_in_dim3A_26 {strides = array<i32>} : memref<1024xf32, #tpu.memory_space<vmem>>, vector<16xf32>,
    %swap3A_155 = arith.constant 512 : index
    %swap3A_156 = tpu.vector_load %arg12[%swap3A_155] {strides = array<i32>} : memref<1024xf32, #tpu.memory_space<vmem>>, vector<16xf32>,
    tpu.vector_store %arg12[%swap3A_155], %broadcast_in_dim3A_26 {strides = array<i32>} : memref<1024xf32, #tpu.memory_space<vmem>>, vector<16xf32>,
    %swap3A_157 = arith.constant 512 : index
    %swap3A_158 = tpu.vector_load %arg13[%swap3A_157] {strides = array<i32>} : memref<1024xf32, #tpu.memory_space<vmem>>, vector<16xf32>,
    tpu.vector_store %arg13[%swap3A_157], %broadcast_in_dim3A_26 {strides = array<i32>} : memref<1024xf32, #tpu.memory_space<vmem>>, vector<16xf32>,
    %swap3A_159 = arith.constant 528 : index
    %swap3A_160 = tpu.vector_load %arg12[%swap3A_159] {strides = array<i32>} : memref<1024xf32, #tpu.memory_space<vmem>>, vector<16xf32>,
    tpu.vector_store %arg12[%swap3A_159], %broadcast_in_dim3A_26 {strides = array<i32>} : memref<1024xf32, #tpu.memory_space<vmem>>, vector<16xf32>,
    %swap3A_161 = arith.constant 528 : index
    %swap3A_162 = tpu.vector_load %arg13[%swap3A_161] {strides = array<i32>} : memref<1024xf32, #tpu.memory_space<vmem>>, vector<16xf32>,
    tpu.vector_store %arg13[%swap3A_161], %broadcast_in_dim3A_26 {strides = array<i32>} : memref<1024xf32, #tpu.memory_space<vmem>>, vector<16xf32>,
    %swap3A_163 = arith.constant 544 : index
    %swap3A_164 = tpu.vector_load %arg12[%swap3A_163] {strides = array<i32>} : memref<1024xf32, #tpu.memory_space<vmem>>, vector<16xf32>,
    tpu.vector_store %arg12[%swap3A_163], %broadcast_in_dim3A_26 {strides = array<i32>} : memref<1024xf32, #tpu.memory_space<vmem>>, vector<16xf32>,
    %swap3A_165 = arith.constant 544 : index
    %swap3A_166 = tpu.vector_load %arg13[%swap3A_165] {strides = array<i32>} : memref<1024xf32, #tpu.memory_space<vmem>>, vector<16xf32>,
    tpu.vector_store %arg13[%swap3A_165], %broadcast_in_dim3A_26 {strides = array<i32>} : memref<1024xf32, #tpu.memory_space<vmem>>, vector<16xf32>,
    %swap3A_167 = arith.constant 560 : index
    %swap3A_168 = tpu.vector_load %arg12[%swap3A_167] {strides = array<i32>} : memref<1024xf32, #tpu.memory_space<vmem>>, vector<16xf32>,
    tpu.vector_store %arg12[%swap3A_167], %broadcast_in_dim3A_26 {strides = array<i32>} : memref<1024xf32, #tpu.memory_space<vmem>>, vector<16xf32>,
    %swap3A_169 = arith.constant 560 : index
    %swap3A_170 = tpu.vector_load %arg13[%swap3A_169] {strides = array<i32>} : memref<1024xf32, #tpu.memory_space<vmem>>, vector<16xf32>,
    tpu.vector_store %arg13[%swap3A_169], %broadcast_in_dim3A_26 {strides = array<i32>} : memref<1024xf32, #tpu.memory_space<vmem>>, vector<16xf32>,
    %swap3A_171 = arith.constant 576 : index
    %swap3A_172 = tpu.vector_load %arg12[%swap3A_171] {strides = array<i32>} : memref<1024xf32, #tpu.memory_space<vmem>>, vector<16xf32>,
    tpu.vector_store %arg12[%swap3A_171], %broadcast_in_dim3A_26 {strides = array<i32>} : memref<1024xf32, #tpu.memory_space<vmem>>, vector<16xf32>,
    %swap3A_173 = arith.constant 576 : index
    %swap3A_174 = tpu.vector_load %arg13[%swap3A_173] {strides = array<i32>} : memref<1024xf32, #tpu.memory_space<vmem>>, vector<16xf32>,
    tpu.vector_store %arg13[%swap3A_173], %broadcast_in_dim3A_26 {strides = array<i32>} : memref<1024xf32, #tpu.memory_space<vmem>>, vector<16xf32>,
    %swap3A_175 = arith.constant 592 : index
    %swap3A_176 = tpu.vector_load %arg12[%swap3A_175] {strides = array<i32>} : memref<1024xf32, #tpu.memory_space<vmem>>, vector<16xf32>,
    tpu.vector_store %arg12[%swap3A_175], %broadcast_in_dim3A_26 {strides = array<i32>} : memref<1024xf32, #tpu.memory_space<vmem>>, vector<16xf32>,
    %swap3A_177 = arith.constant 592 : index
    %swap3A_178 = tpu.vector_load %arg13[%swap3A_177] {strides = array<i32>} : memref<1024xf32, #tpu.memory_space<vmem>>, vector<16xf32>,
    tpu.vector_store %arg13[%swap3A_177], %broadcast_in_dim3A_26 {strides = array<i32>} : memref<1024xf32, #tpu.memory_space<vmem>>, vector<16xf32>,
    %swap3A_179 = arith.constant 608 : index
    %swap3A_180 = tpu.vector_load %arg12[%swap3A_179] {strides = array<i32>} : memref<1024xf32, #tpu.memory_space<vmem>>, vector<16xf32>,
    tpu.vector_store %arg12[%swap3A_179], %broadcast_in_dim3A_26 {strides = array<i32>} : memref<1024xf32, #tpu.memory_space<vmem>>, vector<16xf32>,
    %swap3A_181 = arith.constant 608 : index
    %swap3A_182 = tpu.vector_load %arg13[%swap3A_181] {strides = array<i32>} : memref<1024xf32, #tpu.memory_space<vmem>>, vector<16xf32>,
    tpu.vector_store %arg13[%swap3A_181], %broadcast_in_dim3A_26 {strides = array<i32>} : memref<1024xf32, #tpu.memory_space<vmem>>, vector<16xf32>,
    %swap3A_183 = arith.constant 624 : index
    %swap3A_184 = tpu.vector_load %arg12[%swap3A_183] {strides = array<i32>} : memref<1024xf32, #tpu.memory_space<vmem>>, vector<16xf32>,
    tpu.vector_store %arg12[%swap3A_183], %broadcast_in_dim3A_26 {strides = array<i32>} : memref<1024xf32, #tpu.memory_space<vmem>>, vector<16xf32>,
    %swap3A_185 = arith.constant 624 : index
    %swap3A_186 = tpu.vector_load %arg13[%swap3A_185] {strides = array<i32>} : memref<1024xf32, #tpu.memory_space<vmem>>, vector<16xf32>,
    tpu.vector_store %arg13[%swap3A_185], %broadcast_in_dim3A_26 {strides = array<i32>} : memref<1024xf32, #tpu.memory_space<vmem>>, vector<16xf32>,
    %swap3A_187 = arith.constant 640 : index
    %swap3A_188 = tpu.vector_load %arg12[%swap3A_187] {strides = array<i32>} : memref<1024xf32, #tpu.memory_space<vmem>>, vector<16xf32>,
    tpu.vector_store %arg12[%swap3A_187], %broadcast_in_dim3A_26 {strides = array<i32>} : memref<1024xf32, #tpu.memory_space<vmem>>, vector<16xf32>,
    %swap3A_189 = arith.constant 640 : index
    %swap3A_190 = tpu.vector_load %arg13[%swap3A_189] {strides = array<i32>} : memref<1024xf32, #tpu.memory_space<vmem>>, vector<16xf32>,
    tpu.vector_store %arg13[%swap3A_189], %broadcast_in_dim3A_26 {strides = array<i32>} : memref<1024xf32, #tpu.memory_space<vmem>>, vector<16xf32>,
    %swap3A_191 = arith.constant 656 : index
    %swap3A_192 = tpu.vector_load %arg12[%swap3A_191] {strides = array<i32>} : memref<1024xf32, #tpu.memory_space<vmem>>, vector<16xf32>,
    tpu.vector_store %arg12[%swap3A_191], %broadcast_in_dim3A_26 {strides = array<i32>} : memref<1024xf32, #tpu.memory_space<vmem>>, vector<16xf32>,
    %swap3A_193 = arith.constant 656 : index
    %swap3A_194 = tpu.vector_load %arg13[%swap3A_193] {strides = array<i32>} : memref<1024xf32, #tpu.memory_space<vmem>>, vector<16xf32>,
    tpu.vector_store %arg13[%swap3A_193], %broadcast_in_dim3A_26 {strides = array<i32>} : memref<1024xf32, #tpu.memory_space<vmem>>, vector<16xf32>,
    %swap3A_195 = arith.constant 672 : index
    %swap3A_196 = tpu.vector_load %arg12[%swap3A_195] {strides = array<i32>} : memref<1024xf32, #tpu.memory_space<vmem>>, vector<16xf32>,
    tpu.vector_store %arg12[%swap3A_195], %broadcast_in_dim3A_26 {strides = array<i32>} : memref<1024xf32, #tpu.memory_space<vmem>>, vector<16xf32>,
    %swap3A_197 = arith.constant 672 : index
    %swap3A_198 = tpu.vector_load %arg13[%swap3A_197] {strides = array<i32>} : memref<1024xf32, #tpu.memory_space<vmem>>, vector<16xf32>,
    tpu.vector_store %arg13[%swap3A_197], %broadcast_in_dim3A_26 {strides = array<i32>} : memref<1024xf32, #tpu.memory_space<vmem>>, vector<16xf32>,
    %swap3A_199 = arith.constant 688 : index
    %swap3A_200 = tpu.vector_load %arg12[%swap3A_199] {strides = array<i32>} : memref<1024xf32, #tpu.memory_space<vmem>>, vector<16xf32>,
    tpu.vector_store %arg12[%swap3A_199], %broadcast_in_dim3A_26 {strides = array<i32>} : memref<1024xf32, #tpu.memory_space<vmem>>, vector<16xf32>,
    %swap3A_201 = arith.constant 688 : index
    %swap3A_202 = tpu.vector_load %arg13[%swap3A_201] {strides = array<i32>} : memref<1024xf32, #tpu.memory_space<vmem>>, vector<16xf32>,
    tpu.vector_store %arg13[%swap3A_201], %broadcast_in_dim3A_26 {strides = array<i32>} : memref<1024xf32, #tpu.memory_space<vmem>>, vector<16xf32>,
    %swap3A_203 = arith.constant 704 : index
    %swap3A_204 = tpu.vector_load %arg12[%swap3A_203] {strides = array<i32>} : memref<1024xf32, #tpu.memory_space<vmem>>, vector<16xf32>,
    tpu.vector_store %arg12[%swap3A_203], %broadcast_in_dim3A_26 {strides = array<i32>} : memref<1024xf32, #tpu.memory_space<vmem>>, vector<16xf32>,
    %swap3A_205 = arith.constant 704 : index
    %swap3A_206 = tpu.vector_load %arg13[%swap3A_205] {strides = array<i32>} : memref<1024xf32, #tpu.memory_space<vmem>>, vector<16xf32>,
    tpu.vector_store %arg13[%swap3A_205], %broadcast_in_dim3A_26 {strides = array<i32>} : memref<1024xf32, #tpu.memory_space<vmem>>, vector<16xf32>,
    %swap3A_207 = arith.constant 720 : index
    %swap3A_208 = tpu.vector_load %arg12[%swap3A_207] {strides = array<i32>} : memref<1024xf32, #tpu.memory_space<vmem>>, vector<16xf32>,
    tpu.vector_store %arg12[%swap3A_207], %broadcast_in_dim3A_26 {strides = array<i32>} : memref<1024xf32, #tpu.memory_space<vmem>>, vector<16xf32>,
    %swap3A_209 = arith.constant 720 : index
    %swap3A_210 = tpu.vector_load %arg13[%swap3A_209] {strides = array<i32>} : memref<1024xf32, #tpu.memory_space<vmem>>, vector<16xf32>,
    tpu.vector_store %arg13[%swap3A_209], %broadcast_in_dim3A_26 {strides = array<i32>} : memref<1024xf32, #tpu.memory_space<vmem>>, vector<16xf32>,
    %swap3A_211 = arith.constant 736 : index
    %swap3A_212 = tpu.vector_load %arg12[%swap3A_211] {strides = array<i32>} : memref<1024xf32, #tpu.memory_space<vmem>>, vector<16xf32>,
    tpu.vector_store %arg12[%swap3A_211], %broadcast_in_dim3A_26 {strides = array<i32>} : memref<1024xf32, #tpu.memory_space<vmem>>, vector<16xf32>,
    %swap3A_213 = arith.constant 736 : index
    %swap3A_214 = tpu.vector_load %arg13[%swap3A_213] {strides = array<i32>} : memref<1024xf32, #tpu.memory_space<vmem>>, vector<16xf32>,
    tpu.vector_store %arg13[%swap3A_213], %broadcast_in_dim3A_26 {strides = array<i32>} : memref<1024xf32, #tpu.memory_space<vmem>>, vector<16xf32>,
    %swap3A_215 = arith.constant 752 : index
    %swap3A_216 = tpu.vector_load %arg12[%swap3A_215] {strides = array<i32>} : memref<1024xf32, #tpu.memory_space<vmem>>, vector<16xf32>,
    tpu.vector_store %arg12[%swap3A_215], %broadcast_in_dim3A_26 {strides = array<i32>} : memref<1024xf32, #tpu.memory_space<vmem>>, vector<16xf32>,
    %swap3A_217 = arith.constant 752 : index
    %swap3A_218 = tpu.vector_load %arg13[%swap3A_217] {strides = array<i32>} : memref<1024xf32, #tpu.memory_space<vmem>>, vector<16xf32>,
    tpu.vector_store %arg13[%swap3A_217], %broadcast_in_dim3A_26 {strides = array<i32>} : memref<1024xf32, #tpu.memory_space<vmem>>, vector<16xf32>,
    %swap3A_219 = arith.constant 768 : index
    %swap3A_220 = tpu.vector_load %arg12[%swap3A_219] {strides = array<i32>} : memref<1024xf32, #tpu.memory_space<vmem>>, vector<16xf32>,
    tpu.vector_store %arg12[%swap3A_219], %broadcast_in_dim3A_26 {strides = array<i32>} : memref<1024xf32, #tpu.memory_space<vmem>>, vector<16xf32>,
    %swap3A_221 = arith.constant 768 : index
    %swap3A_222 = tpu.vector_load %arg13[%swap3A_221] {strides = array<i32>} : memref<1024xf32, #tpu.memory_space<vmem>>, vector<16xf32>,
    tpu.vector_store %arg13[%swap3A_221], %broadcast_in_dim3A_26 {strides = array<i32>} : memref<1024xf32, #tpu.memory_space<vmem>>, vector<16xf32>,
    %swap3A_223 = arith.constant 784 : index
    %swap3A_224 = tpu.vector_load %arg12[%swap3A_223] {strides = array<i32>} : memref<1024xf32, #tpu.memory_space<vmem>>, vector<16xf32>,
    tpu.vector_store %arg12[%swap3A_223], %broadcast_in_dim3A_26 {strides = array<i32>} : memref<1024xf32, #tpu.memory_space<vmem>>, vector<16xf32>,
    %swap3A_225 = arith.constant 784 : index
    %swap3A_226 = tpu.vector_load %arg13[%swap3A_225] {strides = array<i32>} : memref<1024xf32, #tpu.memory_space<vmem>>, vector<16xf32>,
    tpu.vector_store %arg13[%swap3A_225], %broadcast_in_dim3A_26 {strides = array<i32>} : memref<1024xf32, #tpu.memory_space<vmem>>, vector<16xf32>,
    %swap3A_227 = arith.constant 800 : index
    %swap3A_228 = tpu.vector_load %arg12[%swap3A_227] {strides = array<i32>} : memref<1024xf32, #tpu.memory_space<vmem>>, vector<16xf32>,
    tpu.vector_store %arg12[%swap3A_227], %broadcast_in_dim3A_26 {strides = array<i32>} : memref<1024xf32, #tpu.memory_space<vmem>>, vector<16xf32>,
    %swap3A_229 = arith.constant 800 : index
    %swap3A_230 = tpu.vector_load %arg13[%swap3A_229] {strides = array<i32>} : memref<1024xf32, #tpu.memory_space<vmem>>, vector<16xf32>,
    tpu.vector_store %arg13[%swap3A_229], %broadcast_in_dim3A_26 {strides = array<i32>} : memref<1024xf32, #tpu.memory_space<vmem>>, vector<16xf32>,
    %swap3A_231 = arith.constant 816 : index
    %swap3A_232 = tpu.vector_load %arg12[%swap3A_231] {strides = array<i32>} : memref<1024xf32, #tpu.memory_space<vmem>>, vector<16xf32>,
    tpu.vector_store %arg12[%swap3A_231], %broadcast_in_dim3A_26 {strides = array<i32>} : memref<1024xf32, #tpu.memory_space<vmem>>, vector<16xf32>,
    %swap3A_233 = arith.constant 816 : index
    %swap3A_234 = tpu.vector_load %arg13[%swap3A_233] {strides = array<i32>} : memref<1024xf32, #tpu.memory_space<vmem>>, vector<16xf32>,
    tpu.vector_store %arg13[%swap3A_233], %broadcast_in_dim3A_26 {strides = array<i32>} : memref<1024xf32, #tpu.memory_space<vmem>>, vector<16xf32>,
    %swap3A_235 = arith.constant 832 : index
    %swap3A_236 = tpu.vector_load %arg12[%swap3A_235] {strides = array<i32>} : memref<1024xf32, #tpu.memory_space<vmem>>, vector<16xf32>,
    tpu.vector_store %arg12[%swap3A_235], %broadcast_in_dim3A_26 {strides = array<i32>} : memref<1024xf32, #tpu.memory_space<vmem>>, vector<16xf32>,
    %swap3A_237 = arith.constant 832 : index
    %swap3A_238 = tpu.vector_load %arg13[%swap3A_237] {strides = array<i32>} : memref<1024xf32, #tpu.memory_space<vmem>>, vector<16xf32>,
    tpu.vector_store %arg13[%swap3A_237], %broadcast_in_dim3A_26 {strides = array<i32>} : memref<1024xf32, #tpu.memory_space<vmem>>, vector<16xf32>,
    %swap3A_239 = arith.constant 848 : index
    %swap3A_240 = tpu.vector_load %arg12[%swap3A_239] {strides = array<i32>} : memref<1024xf32, #tpu.memory_space<vmem>>, vector<16xf32>,
    tpu.vector_store %arg12[%swap3A_239], %broadcast_in_dim3A_26 {strides = array<i32>} : memref<1024xf32, #tpu.memory_space<vmem>>, vector<16xf32>,
    %swap3A_241 = arith.constant 848 : index
    %swap3A_242 = tpu.vector_load %arg13[%swap3A_241] {strides = array<i32>} : memref<1024xf32, #tpu.memory_space<vmem>>, vector<16xf32>,
    tpu.vector_store %arg13[%swap3A_241], %broadcast_in_dim3A_26 {strides = array<i32>} : memref<1024xf32, #tpu.memory_space<vmem>>, vector<16xf32>,
    %swap3A_243 = arith.constant 864 : index
    %swap3A_244 = tpu.vector_load %arg12[%swap3A_243] {strides = array<i32>} : memref<1024xf32, #tpu.memory_space<vmem>>, vector<16xf32>,
    tpu.vector_store %arg12[%swap3A_243], %broadcast_in_dim3A_26 {strides = array<i32>} : memref<1024xf32, #tpu.memory_space<vmem>>, vector<16xf32>,
    %swap3A_245 = arith.constant 864 : index
    %swap3A_246 = tpu.vector_load %arg13[%swap3A_245] {strides = array<i32>} : memref<1024xf32, #tpu.memory_space<vmem>>, vector<16xf32>,
    tpu.vector_store %arg13[%swap3A_245], %broadcast_in_dim3A_26 {strides = array<i32>} : memref<1024xf32, #tpu.memory_space<vmem>>, vector<16xf32>,
    %swap3A_247 = arith.constant 880 : index
    %swap3A_248 = tpu.vector_load %arg12[%swap3A_247] {strides = array<i32>} : memref<1024xf32, #tpu.memory_space<vmem>>, vector<16xf32>,
    tpu.vector_store %arg12[%swap3A_247], %broadcast_in_dim3A_26 {strides = array<i32>} : memref<1024xf32, #tpu.memory_space<vmem>>, vector<16xf32>,
    %swap3A_249 = arith.constant 880 : index
    %swap3A_250 = tpu.vector_load %arg13[%swap3A_249] {strides = array<i32>} : memref<1024xf32, #tpu.memory_space<vmem>>, vector<16xf32>,
    tpu.vector_store %arg13[%swap3A_249], %broadcast_in_dim3A_26 {strides = array<i32>} : memref<1024xf32, #tpu.memory_space<vmem>>, vector<16xf32>,
    %swap3A_251 = arith.constant 896 : index
    %swap3A_252 = tpu.vector_load %arg12[%swap3A_251] {strides = array<i32>} : memref<1024xf32, #tpu.memory_space<vmem>>, vector<16xf32>,
    tpu.vector_store %arg12[%swap3A_251], %broadcast_in_dim3A_26 {strides = array<i32>} : memref<1024xf32, #tpu.memory_space<vmem>>, vector<16xf32>,
    %swap3A_253 = arith.constant 896 : index
    %swap3A_254 = tpu.vector_load %arg13[%swap3A_253] {strides = array<i32>} : memref<1024xf32, #tpu.memory_space<vmem>>, vector<16xf32>,
    tpu.vector_store %arg13[%swap3A_253], %broadcast_in_dim3A_26 {strides = array<i32>} : memref<1024xf32, #tpu.memory_space<vmem>>, vector<16xf32>,
    %swap3A_255 = arith.constant 912 : index
    %swap3A_256 = tpu.vector_load %arg12[%swap3A_255] {strides = array<i32>} : memref<1024xf32, #tpu.memory_space<vmem>>, vector<16xf32>,
    tpu.vector_store %arg12[%swap3A_255], %broadcast_in_dim3A_26 {strides = array<i32>} : memref<1024xf32, #tpu.memory_space<vmem>>, vector<16xf32>,
    %swap3A_257 = arith.constant 912 : index
    %swap3A_258 = tpu.vector_load %arg13[%swap3A_257] {strides = array<i32>} : memref<1024xf32, #tpu.memory_space<vmem>>, vector<16xf32>,
    tpu.vector_store %arg13[%swap3A_257], %broadcast_in_dim3A_26 {strides = array<i32>} : memref<1024xf32, #tpu.memory_space<vmem>>, vector<16xf32>,
    %swap3A_259 = arith.constant 928 : index
    %swap3A_260 = tpu.vector_load %arg12[%swap3A_259] {strides = array<i32>} : memref<1024xf32, #tpu.memory_space<vmem>>, vector<16xf32>,
    tpu.vector_store %arg12[%swap3A_259], %broadcast_in_dim3A_26 {strides = array<i32>} : memref<1024xf32, #tpu.memory_space<vmem>>, vector<16xf32>,
    %swap3A_261 = arith.constant 928 : index
    %swap3A_262 = tpu.vector_load %arg13[%swap3A_261] {strides = array<i32>} : memref<1024xf32, #tpu.memory_space<vmem>>, vector<16xf32>,
    tpu.vector_store %arg13[%swap3A_261], %broadcast_in_dim3A_26 {strides = array<i32>} : memref<1024xf32, #tpu.memory_space<vmem>>, vector<16xf32>,
    %swap3A_263 = arith.constant 944 : index
    %swap3A_264 = tpu.vector_load %arg12[%swap3A_263] {strides = array<i32>} : memref<1024xf32, #tpu.memory_space<vmem>>, vector<16xf32>,
    tpu.vector_store %arg12[%swap3A_263], %broadcast_in_dim3A_26 {strides = array<i32>} : memref<1024xf32, #tpu.memory_space<vmem>>, vector<16xf32>,
    %swap3A_265 = arith.constant 944 : index
    %swap3A_266 = tpu.vector_load %arg13[%swap3A_265] {strides = array<i32>} : memref<1024xf32, #tpu.memory_space<vmem>>, vector<16xf32>,
    tpu.vector_store %arg13[%swap3A_265], %broadcast_in_dim3A_26 {strides = array<i32>} : memref<1024xf32, #tpu.memory_space<vmem>>, vector<16xf32>,
    %swap3A_267 = arith.constant 960 : index
    %swap3A_268 = tpu.vector_load %arg12[%swap3A_267] {strides = array<i32>} : memref<1024xf32, #tpu.memory_space<vmem>>, vector<16xf32>,
    tpu.vector_store %arg12[%swap3A_267], %broadcast_in_dim3A_26 {strides = array<i32>} : memref<1024xf32, #tpu.memory_space<vmem>>, vector<16xf32>,
    %swap3A_269 = arith.constant 960 : index
    %swap3A_270 = tpu.vector_load %arg13[%swap3A_269] {strides = array<i32>} : memref<1024xf32, #tpu.memory_space<vmem>>, vector<16xf32>,
    tpu.vector_store %arg13[%swap3A_269], %broadcast_in_dim3A_26 {strides = array<i32>} : memref<1024xf32, #tpu.memory_space<vmem>>, vector<16xf32>,
    %swap3A_271 = arith.constant 976 : index
    %swap3A_272 = tpu.vector_load %arg12[%swap3A_271] {strides = array<i32>} : memref<1024xf32, #tpu.memory_space<vmem>>, vector<16xf32>,
    tpu.vector_store %arg12[%swap3A_271], %broadcast_in_dim3A_26 {strides = array<i32>} : memref<1024xf32, #tpu.memory_space<vmem>>, vector<16xf32>,
    %swap3A_273 = arith.constant 976 : index
    %swap3A_274 = tpu.vector_load %arg13[%swap3A_273] {strides = array<i32>} : memref<1024xf32, #tpu.memory_space<vmem>>, vector<16xf32>,
    tpu.vector_store %arg13[%swap3A_273], %broadcast_in_dim3A_26 {strides = array<i32>} : memref<1024xf32, #tpu.memory_space<vmem>>, vector<16xf32>,
    %swap3A_275 = arith.constant 992 : index
    %swap3A_276 = tpu.vector_load %arg12[%swap3A_275] {strides = array<i32>} : memref<1024xf32, #tpu.memory_space<vmem>>, vector<16xf32>,
    tpu.vector_store %arg12[%swap3A_275], %broadcast_in_dim3A_26 {strides = array<i32>} : memref<1024xf32, #tpu.memory_space<vmem>>, vector<16xf32>,
    %swap3A_277 = arith.constant 992 : index
    %swap3A_278 = tpu.vector_load %arg13[%swap3A_277] {strides = array<i32>} : memref<1024xf32, #tpu.memory_space<vmem>>, vector<16xf32>,
    tpu.vector_store %arg13[%swap3A_277], %broadcast_in_dim3A_26 {strides = array<i32>} : memref<1024xf32, #tpu.memory_space<vmem>>, vector<16xf32>,
    %swap3A_279 = arith.constant 1008 : index
    %swap3A_280 = tpu.vector_load %arg12[%swap3A_279] {strides = array<i32>} : memref<1024xf32, #tpu.memory_space<vmem>>, vector<16xf32>,
    tpu.vector_store %arg12[%swap3A_279], %broadcast_in_dim3A_26 {strides = array<i32>} : memref<1024xf32, #tpu.memory_space<vmem>>, vector<16xf32>,
    %swap3A_281 = arith.constant 1008 : index
    %swap3A_282 = tpu.vector_load %arg13[%swap3A_281] {strides = array<i32>} : memref<1024xf32, #tpu.memory_space<vmem>>, vector<16xf32>,
    tpu.vector_store %arg13[%swap3A_281], %broadcast_in_dim3A_26 {strides = array<i32>} : memref<1024xf32, #tpu.memory_space<vmem>>, vector<16xf32>,
    %dma_wait3A = tpu.memref_slice %arg4[%mul3A_4] : memref<1024xi32, #tpu.memory_space<hbm>> -> memref<32xi32, #tpu.memory_space<hbm>>
    %dma_wait3A_283 = tpu.memref_slice %arg4[%mul3A_4] : memref<1024xi32, #tpu.memory_space<hbm>> -> memref<32xi32, #tpu.memory_space<hbm>>
    tpu.wait_dma2 semaphore(%arg19 : memref<!tpu.dma_semaphore, #tpu.memory_space<semaphore_mem>>) src(%dma_wait3A_283 : memref<32xi32, #tpu.memory_space<hbm>>) dst(%arg15 : memref<32xi32, #tpu.memory_space<vmem>>)
    %dma_start3A_284 = arith.constant 0 : i32
    %dma_start3A_285 = tpu.memref_slice %arg2[%dma_start3A_284] : memref<100352xf32, #tpu.memory_space<hbm>> -> memref<100352xf32, #tpu.memory_space<hbm>>
    tpu.enqueue_indirect_dma source(%dma_start3A_285 : memref<100352xf32, #tpu.memory_space<hbm>>) target(%arg16 : memref<32xf32, #tpu.memory_space<vmem>>) offsets(%arg15 : memref<32xi32, #tpu.memory_space<vmem>>) semaphore(%arg20 : memref<!tpu.dma_semaphore, #tpu.memory_space<semaphore_mem>>)
    %dma_start3A_286 = arith.constant 0 : i32
    %dma_start3A_287 = tpu.memref_slice %arg3[%dma_start3A_286] : memref<100000xi32, #tpu.memory_space<hbm>> -> memref<100000xi32, #tpu.memory_space<hbm>>
    tpu.enqueue_indirect_dma source(%dma_start3A_287 : memref<100000xi32, #tpu.memory_space<hbm>>) target(%arg17 : memref<32xi32, #tpu.memory_space<vmem>>) offsets(%arg15 : memref<32xi32, #tpu.memory_space<vmem>>) semaphore(%arg20 : memref<!tpu.dma_semaphore, #tpu.memory_space<semaphore_mem>>)
    %dma_wait3A_288 = tpu.memref_slice %arg2[%mul3A_2] : memref<100352xf32, #tpu.memory_space<hbm>> -> memref<3136xf32, #tpu.memory_space<hbm>>
    %dma_wait3A_289 = tpu.memref_slice %arg2[%mul3A_2] : memref<100352xf32, #tpu.memory_space<hbm>> -> memref<3136xf32, #tpu.memory_space<hbm>>
    tpu.wait_dma2 semaphore(%arg18 : memref<!tpu.dma_semaphore, #tpu.memory_space<semaphore_mem>>) src(%dma_wait3A_289 : memref<3136xf32, #tpu.memory_space<hbm>>) dst(%arg10 : memref<3136xf32, #tpu.memory_space<vmem>>)
    %dma_wait3A_290 = arith.constant 0 : i32
    %dma_wait3A_291 = arith.constant 0 : i32
    %dma_wait3A_292 = tpu.memref_slice %arg5[%dma_wait3A_290, %dma_wait3A_291] : memref<1x128xf32, #tpu.memory_space<hbm>> -> memref<1x128xf32, #tpu.memory_space<hbm>>
    %dma_wait3A_293 = tpu.memref_squeeze %dma_wait3A_292 : memref<1x128xf32, #tpu.memory_space<hbm>> -> memref<128xf32, #tpu.memory_space<hbm>>
    %dma_wait3A_294 = arith.constant 0 : i32
    %dma_wait3A_295 = tpu.memref_slice %arg5[%dma_wait3A_290, %dma_wait3A_294] : memref<1x128xf32, #tpu.memory_space<hbm>> -> memref<1x128xf32, #tpu.memory_space<hbm>>
    %dma_wait3A_296 = tpu.memref_squeeze %dma_wait3A_295 : memref<1x128xf32, #tpu.memory_space<hbm>> -> memref<128xf32, #tpu.memory_space<hbm>>
    tpu.wait_dma2 semaphore(%arg18 : memref<!tpu.dma_semaphore, #tpu.memory_space<semaphore_mem>>) src(%dma_wait3A_296 : memref<128xf32, #tpu.memory_space<hbm>>) dst(%arg14 : memref<128xf32, #tpu.memory_space<vmem>>)
    %get3A = arith.constant 0 : index
    %get3A_297 = tpu.vector_load %arg14[%get3A] {strides = array<i32>} : memref<128xf32, #tpu.memory_space<vmem>>, vector<16xf32>,
    %iota3A = tpu.iota {dimensions = array<i32: 0>} : vector<16xi32>
    %sub3A = arith.constant 1 : i32
    %sub3A_298 = vector.broadcast %sub3A : i32 to vector<16xi32>
    %sub3A_299 = arith.subi %iota3A, %sub3A_298 : vector<16xi32>
    %max3A = arith.constant 0 : i32
    %max3A_300 = vector.broadcast %max3A : i32 to vector<16xi32>
    %max3A_301 = arith.maxsi %sub3A_299, %max3A_300 : vector<16xi32>
    %broadcast_in_dim3A_302 = arith.constant -1 : i32
    %broadcast_in_dim3A_303 = vector.broadcast %broadcast_in_dim3A_302 : i32 to vector<16xi32>
    %broadcast_in_dim3A_304 = arith.constant 0.000000e+00 : f32
    %broadcast_in_dim3A_305 = vector.broadcast %broadcast_in_dim3A_304 : f32 to vector<16xf32>
    %parallel_loop3A = arith.constant 0 : i32
    %parallel_loop3A_306 = arith.constant 196 : i32
    %parallel_loop3A_307 = arith.constant 1 : i32
    scf.for %parallel_loop3A_344 = %parallel_loop3A to %parallel_loop3A_306 step %parallel_loop3A_307  : i32 {
      %parallel_loop3A_345 = arith.constant 16 : i32
      %parallel_loop3A_346 = arith.muli %parallel_loop3A_344, %parallel_loop3A_345 : i32
      %parallel_loop3A_347 = tpu.assume_multiple %parallel_loop3A_346, 16 : i32
      %parallel_loop3A_348 = arith.index_cast %parallel_loop3A_347 : i32 to index
      %parallel_loop3A_349 = tpu.vector_load %arg10[%parallel_loop3A_348] {strides = array<i32>} : memref<3136xf32, #tpu.memory_space<vmem>>, vector<16xf32>,
      %parallel_loop3A_350 = arith.index_cast %parallel_loop3A_347 : i32 to index
      %parallel_loop3A_351 = tpu.vector_load %arg11[%parallel_loop3A_350] {strides = array<i32>} : memref<3152xi32, #tpu.memory_space<vmem>>, vector<16xi32>,
      %parallel_loop3A_352 = arith.constant 1 : i32
      %parallel_loop3A_353 = arith.addi %parallel_loop3A_347, %parallel_loop3A_352 : i32
      %parallel_loop3A_354 = arith.index_cast %parallel_loop3A_353 : i32 to index
      %parallel_loop3A_355 = tpu.vector_load %arg11[%parallel_loop3A_354] {strides = array<i32>} : memref<3152xi32, #tpu.memory_space<vmem>>, vector<16xi32>,
      %parallel_loop3A_356 = arith.subf %parallel_loop3A_349, %get3A_297 : vector<16xf32>
      %parallel_loop3A_357 = math.exp %parallel_loop3A_356 : vector<16xf32>
      %parallel_loop3A_358 = arith.constant true
      %parallel_loop3A_359 = vector.broadcast %parallel_loop3A_358 : i1 to vector<16xi1>
      %parallel_loop3A_360 = tpu.scan <sum>, %parallel_loop3A_357 masked %parallel_loop3A_359 : vector<16xf32>, vector<16xi1> -> vector<16xf32>
      %parallel_loop3A_361 = arith.mulf %parallel_loop3A_357, %parallel_loop3A_356 : vector<16xf32>
      %parallel_loop3A_362 = arith.constant true
      %parallel_loop3A_363 = vector.broadcast %parallel_loop3A_362 : i1 to vector<16xi1>
      %parallel_loop3A_364 = tpu.scan <sum>, %parallel_loop3A_361 masked %parallel_loop3A_363 : vector<16xf32>, vector<16xi1> -> vector<16xf32>
      %parallel_loop3A_365 = arith.cmpi ne, %parallel_loop3A_351, %parallel_loop3A_355 : vector<16xi32>
      %parallel_loop3A_366 = arith.select %parallel_loop3A_365, %iota3A, %broadcast_in_dim3A_303 : vector<16xi1>, vector<16xi32>
      %parallel_loop3A_367 = arith.constant 0 : i32
      %parallel_loop3A_368 = vector.broadcast %parallel_loop3A_367 : i32 to vector<16xi32>
      %parallel_loop3A_369 = arith.cmpi eq, %iota3A, %parallel_loop3A_368 : vector<16xi32>
      %parallel_loop3A_370 = arith.constant 0 : i32
      %parallel_loop3A_371 = vector.broadcast %parallel_loop3A_370 : i32 to vector<16xi32>
      %parallel_loop3A_372 = arith.cmpi slt, %max3A_301, %parallel_loop3A_371 : vector<16xi32>
      %parallel_loop3A_373 = arith.constant 16 : i32
      %parallel_loop3A_374 = vector.broadcast %parallel_loop3A_373 : i32 to vector<16xi32>
      %parallel_loop3A_375 = arith.addi %max3A_301, %parallel_loop3A_374 : vector<16xi32>
      %parallel_loop3A_376 = arith.select %parallel_loop3A_372, %parallel_loop3A_375, %max3A_301 : vector<16xi1>, vector<16xi32>
      %parallel_loop3A_377 = vector.shape_cast %parallel_loop3A_376 : vector<16xi32> to vector<16x1xi32>
      %parallel_loop3A_378 = vector.shape_cast %parallel_loop3A_377 : vector<16x1xi32> to vector<16xi32>
      %parallel_loop3A_379 = tpu.dynamic_gather %parallel_loop3A_366[%parallel_loop3A_378] in [0] : vector<16xi32>, vector<16xi32> -> vector<16xi32>
      %parallel_loop3A_380 = arith.select %parallel_loop3A_369, %broadcast_in_dim3A_303, %parallel_loop3A_379 : vector<16xi1>, vector<16xi32>
      %parallel_loop3A_381 = arith.constant true
      %parallel_loop3A_382 = vector.broadcast %parallel_loop3A_381 : i1 to vector<16xi1>
      %parallel_loop3A_383 = arith.constant -2147483648 : i32
      %parallel_loop3A_384 = vector.broadcast %parallel_loop3A_383 : i32 to vector<16xi32>
      %parallel_loop3A_385 = arith.xori %parallel_loop3A_380, %parallel_loop3A_384 : vector<16xi32>
      %parallel_loop3A_386 = tpu.scan <max>, %parallel_loop3A_385 masked %parallel_loop3A_382 : vector<16xi32>, vector<16xi1> -> vector<16xi32>
      %parallel_loop3A_387 = arith.xori %parallel_loop3A_386, %parallel_loop3A_384 : vector<16xi32>
      %parallel_loop3A_388 = arith.constant 0 : i32
      %parallel_loop3A_389 = vector.broadcast %parallel_loop3A_388 : i32 to vector<16xi32>
      %parallel_loop3A_390 = arith.maxsi %parallel_loop3A_387, %parallel_loop3A_389 : vector<16xi32>
      %parallel_loop3A_391 = arith.constant 0 : i32
      %parallel_loop3A_392 = vector.broadcast %parallel_loop3A_391 : i32 to vector<16xi32>
      %parallel_loop3A_393 = arith.cmpi sge, %parallel_loop3A_387, %parallel_loop3A_392 : vector<16xi32>
      %parallel_loop3A_394 = arith.constant 0 : i32
      %parallel_loop3A_395 = vector.broadcast %parallel_loop3A_394 : i32 to vector<16xi32>
      %parallel_loop3A_396 = arith.cmpi slt, %parallel_loop3A_390, %parallel_loop3A_395 : vector<16xi32>
      %parallel_loop3A_397 = arith.constant 16 : i32
      %parallel_loop3A_398 = vector.broadcast %parallel_loop3A_397 : i32 to vector<16xi32>
      %parallel_loop3A_399 = arith.addi %parallel_loop3A_390, %parallel_loop3A_398 : vector<16xi32>
      %parallel_loop3A_400 = arith.select %parallel_loop3A_396, %parallel_loop3A_399, %parallel_loop3A_390 : vector<16xi1>, vector<16xi32>
      %parallel_loop3A_401 = vector.shape_cast %parallel_loop3A_400 : vector<16xi32> to vector<16x1xi32>
      %parallel_loop3A_402 = vector.shape_cast %parallel_loop3A_401 : vector<16x1xi32> to vector<16xi32>
      %parallel_loop3A_403 = tpu.dynamic_gather %parallel_loop3A_360[%parallel_loop3A_402] in [0] : vector<16xf32>, vector<16xi32> -> vector<16xf32>
      %parallel_loop3A_404 = arith.select %parallel_loop3A_393, %parallel_loop3A_403, %broadcast_in_dim3A_305 : vector<16xi1>, vector<16xf32>
      %parallel_loop3A_405 = arith.constant 0 : i32
      %parallel_loop3A_406 = vector.broadcast %parallel_loop3A_405 : i32 to vector<16xi32>
      %parallel_loop3A_407 = arith.cmpi slt, %parallel_loop3A_390, %parallel_loop3A_406 : vector<16xi32>
      %parallel_loop3A_408 = arith.constant 16 : i32
      %parallel_loop3A_409 = vector.broadcast %parallel_loop3A_408 : i32 to vector<16xi32>
      %parallel_loop3A_410 = arith.addi %parallel_loop3A_390, %parallel_loop3A_409 : vector<16xi32>
      %parallel_loop3A_411 = arith.select %parallel_loop3A_407, %parallel_loop3A_410, %parallel_loop3A_390 : vector<16xi1>, vector<16xi32>
      %parallel_loop3A_412 = vector.shape_cast %parallel_loop3A_411 : vector<16xi32> to vector<16x1xi32>
      %parallel_loop3A_413 = vector.shape_cast %parallel_loop3A_412 : vector<16x1xi32> to vector<16xi32>
      %parallel_loop3A_414 = tpu.dynamic_gather %parallel_loop3A_364[%parallel_loop3A_413] in [0] : vector<16xf32>, vector<16xi32> -> vector<16xf32>
      %parallel_loop3A_415 = arith.select %parallel_loop3A_393, %parallel_loop3A_414, %broadcast_in_dim3A_305 : vector<16xi1>, vector<16xf32>
      %parallel_loop3A_416 = arith.constant 15 : i32
      %parallel_loop3A_417 = vector.broadcast %parallel_loop3A_416 : i32 to vector<16xi32>
      %parallel_loop3A_418 = arith.cmpi eq, %iota3A, %parallel_loop3A_417 : vector<16xi32>
      %parallel_loop3A_419 = arith.ori %parallel_loop3A_365, %parallel_loop3A_418 : vector<16xi1>
      %parallel_loop3A_420 = arith.subf %parallel_loop3A_360, %parallel_loop3A_404 : vector<16xf32>
      tpu.vector_store_idx %arg12[%parallel_loop3A_351], %parallel_loop3A_420 masked %parallel_loop3A_419 {add = true} : memref<1024xf32, #tpu.memory_space<vmem>>[vector<16xi32>], vector<16xf32>, vector<16xi1>
      %parallel_loop3A_421 = arith.subf %parallel_loop3A_364, %parallel_loop3A_415 : vector<16xf32>
      tpu.vector_store_idx %arg13[%parallel_loop3A_351], %parallel_loop3A_421 masked %parallel_loop3A_419 {add = true} : memref<1024xf32, #tpu.memory_space<vmem>>[vector<16xi32>], vector<16xf32>, vector<16xi1>
    } {sc.loop_unroll_factor = 14 : i64, sc.parallel_access}
    %dma_start3A_308 = arith.constant 0 : i32
    %dma_start3A_309 = tpu.memref_slice %arg6[%add3A, %dma_start3A_308] : memref<32x1024xf32, #tpu.memory_space<hbm>> -> memref<1x1024xf32, #tpu.memory_space<hbm>>
    %dma_start3A_310 = tpu.memref_squeeze %dma_start3A_309 : memref<1x1024xf32, #tpu.memory_space<hbm>> -> memref<1024xf32, #tpu.memory_space<hbm>>
    %dma_start3A_311 = arith.constant 0 : i32
    %dma_start3A_312 = tpu.memref_slice %arg6[%add3A, %dma_start3A_311] : memref<32x1024xf32, #tpu.memory_space<hbm>> -> memref<1x1024xf32, #tpu.memory_space<hbm>>
    %dma_start3A_313 = tpu.memref_squeeze %dma_start3A_312 : memref<1x1024xf32, #tpu.memory_space<hbm>> -> memref<1024xf32, #tpu.memory_space<hbm>>
    tpu.enqueue_dma source(%arg12 : memref<1024xf32, #tpu.memory_space<vmem>>) target(%dma_start3A_313 : memref<1024xf32, #tpu.memory_space<hbm>>) target_semaphore(%arg21 : memref<!tpu.dma_semaphore, #tpu.memory_space<semaphore_mem>>)
    %dma_start3A_314 = arith.constant 0 : i32
    %dma_start3A_315 = tpu.memref_slice %arg7[%add3A, %dma_start3A_314] : memref<32x1024xf32, #tpu.memory_space<hbm>> -> memref<1x1024xf32, #tpu.memory_space<hbm>>
    %dma_start3A_316 = tpu.memref_squeeze %dma_start3A_315 : memref<1x1024xf32, #tpu.memory_space<hbm>> -> memref<1024xf32, #tpu.memory_space<hbm>>
    %dma_start3A_317 = arith.constant 0 : i32
    %dma_start3A_318 = tpu.memref_slice %arg7[%add3A, %dma_start3A_317] : memref<32x1024xf32, #tpu.memory_space<hbm>> -> memref<1x1024xf32, #tpu.memory_space<hbm>>
    %dma_start3A_319 = tpu.memref_squeeze %dma_start3A_318 : memref<1x1024xf32, #tpu.memory_space<hbm>> -> memref<1024xf32, #tpu.memory_space<hbm>>
    tpu.enqueue_dma source(%arg13 : memref<1024xf32, #tpu.memory_space<vmem>>) target(%dma_start3A_319 : memref<1024xf32, #tpu.memory_space<hbm>>) target_semaphore(%arg21 : memref<!tpu.dma_semaphore, #tpu.memory_space<semaphore_mem>>)
    %dma_wait3A_320 = arith.constant 0 : i32
    %dma_wait3A_321 = tpu.memref_slice %arg2[%dma_wait3A_320] : memref<100352xf32, #tpu.memory_space<hbm>> -> memref<100352xf32, #tpu.memory_space<hbm>>
    tpu.wait_indirect_dma semaphore(%arg20 : memref<!tpu.dma_semaphore, #tpu.memory_space<semaphore_mem>>) src(%dma_wait3A_321 : memref<100352xf32, #tpu.memory_space<hbm>>) dst(%arg16 : memref<32xf32, #tpu.memory_space<vmem>>)
    %dma_wait3A_322 = arith.constant 0 : i32
    %dma_wait3A_323 = tpu.memref_slice %arg3[%dma_wait3A_322] : memref<100000xi32, #tpu.memory_space<hbm>> -> memref<100000xi32, #tpu.memory_space<hbm>>
    tpu.wait_indirect_dma semaphore(%arg20 : memref<!tpu.dma_semaphore, #tpu.memory_space<semaphore_mem>>) src(%dma_wait3A_323 : memref<100000xi32, #tpu.memory_space<hbm>>) dst(%arg17 : memref<32xi32, #tpu.memory_space<vmem>>)
    %dma_start3A_324 = tpu.memref_slice %arg8[%mul3A_4] : memref<1024xf32, #tpu.memory_space<hbm>> -> memref<32xf32, #tpu.memory_space<hbm>>
    %dma_start3A_325 = tpu.memref_slice %arg8[%mul3A_4] : memref<1024xf32, #tpu.memory_space<hbm>> -> memref<32xf32, #tpu.memory_space<hbm>>
    tpu.enqueue_dma source(%arg16 : memref<32xf32, #tpu.memory_space<vmem>>) target(%dma_start3A_325 : memref<32xf32, #tpu.memory_space<hbm>>) target_semaphore(%arg21 : memref<!tpu.dma_semaphore, #tpu.memory_space<semaphore_mem>>)
    %dma_start3A_326 = tpu.memref_slice %arg9[%mul3A_4] : memref<1024xi32, #tpu.memory_space<hbm>> -> memref<32xi32, #tpu.memory_space<hbm>>
    %dma_start3A_327 = tpu.memref_slice %arg9[%mul3A_4] : memref<1024xi32, #tpu.memory_space<hbm>> -> memref<32xi32, #tpu.memory_space<hbm>>
    tpu.enqueue_dma source(%arg17 : memref<32xi32, #tpu.memory_space<vmem>>) target(%dma_start3A_327 : memref<32xi32, #tpu.memory_space<hbm>>) target_semaphore(%arg21 : memref<!tpu.dma_semaphore, #tpu.memory_space<semaphore_mem>>)
    %dma_wait3A_328 = arith.constant 0 : i32
    %dma_wait3A_329 = tpu.memref_slice %arg6[%add3A, %dma_wait3A_328] : memref<32x1024xf32, #tpu.memory_space<hbm>> -> memref<1x1024xf32, #tpu.memory_space<hbm>>
    %dma_wait3A_330 = tpu.memref_squeeze %dma_wait3A_329 : memref<1x1024xf32, #tpu.memory_space<hbm>> -> memref<1024xf32, #tpu.memory_space<hbm>>
    %dma_wait3A_331 = arith.constant 0 : i32
    %dma_wait3A_332 = tpu.memref_slice %arg6[%add3A, %dma_wait3A_331] : memref<32x1024xf32, #tpu.memory_space<hbm>> -> memref<1x1024xf32, #tpu.memory_space<hbm>>
    %dma_wait3A_333 = tpu.memref_squeeze %dma_wait3A_332 : memref<1x1024xf32, #tpu.memory_space<hbm>> -> memref<1024xf32, #tpu.memory_space<hbm>>
    tpu.wait_dma2 semaphore(%arg21 : memref<!tpu.dma_semaphore, #tpu.memory_space<semaphore_mem>>) src(%arg12 : memref<1024xf32, #tpu.memory_space<vmem>>) dst(%dma_wait3A_333 : memref<1024xf32, #tpu.memory_space<hbm>>)
    %dma_wait3A_334 = arith.constant 0 : i32
    %dma_wait3A_335 = tpu.memref_slice %arg7[%add3A, %dma_wait3A_334] : memref<32x1024xf32, #tpu.memory_space<hbm>> -> memref<1x1024xf32, #tpu.memory_space<hbm>>
    %dma_wait3A_336 = tpu.memref_squeeze %dma_wait3A_335 : memref<1x1024xf32, #tpu.memory_space<hbm>> -> memref<1024xf32, #tpu.memory_space<hbm>>
    %dma_wait3A_337 = arith.constant 0 : i32
    %dma_wait3A_338 = tpu.memref_slice %arg7[%add3A, %dma_wait3A_337] : memref<32x1024xf32, #tpu.memory_space<hbm>> -> memref<1x1024xf32, #tpu.memory_space<hbm>>
    %dma_wait3A_339 = tpu.memref_squeeze %dma_wait3A_338 : memref<1x1024xf32, #tpu.memory_space<hbm>> -> memref<1024xf32, #tpu.memory_space<hbm>>
    tpu.wait_dma2 semaphore(%arg21 : memref<!tpu.dma_semaphore, #tpu.memory_space<semaphore_mem>>) src(%arg13 : memref<1024xf32, #tpu.memory_space<vmem>>) dst(%dma_wait3A_339 : memref<1024xf32, #tpu.memory_space<hbm>>)
    %dma_wait3A_340 = tpu.memref_slice %arg8[%mul3A_4] : memref<1024xf32, #tpu.memory_space<hbm>> -> memref<32xf32, #tpu.memory_space<hbm>>
    %dma_wait3A_341 = tpu.memref_slice %arg8[%mul3A_4] : memref<1024xf32, #tpu.memory_space<hbm>> -> memref<32xf32, #tpu.memory_space<hbm>>
    tpu.wait_dma2 semaphore(%arg21 : memref<!tpu.dma_semaphore, #tpu.memory_space<semaphore_mem>>) src(%arg16 : memref<32xf32, #tpu.memory_space<vmem>>) dst(%dma_wait3A_341 : memref<32xf32, #tpu.memory_space<hbm>>)
    %dma_wait3A_342 = tpu.memref_slice %arg9[%mul3A_4] : memref<1024xi32, #tpu.memory_space<hbm>> -> memref<32xi32, #tpu.memory_space<hbm>>
    %dma_wait3A_343 = tpu.memref_slice %arg9[%mul3A_4] : memref<1024xi32, #tpu.memory_space<hbm>> -> memref<32xi32, #tpu.memory_space<hbm>>
    tpu.wait_dma2 semaphore(%arg21 : memref<!tpu.dma_semaphore, #tpu.memory_space<semaphore_mem>>) src(%arg17 : memref<32xi32, #tpu.memory_space<vmem>>) dst(%dma_wait3A_343 : memref<32xi32, #tpu.memory_space<hbm>>)
    return
  }
}

module attributes {stable_mosaic.version = 14 : i64} {
  func.func @_fin_body(%arg0: memref<32x1024xf32, #tpu.memory_space<vmem>>, %arg1: memref<32x1024xf32, #tpu.memory_space<vmem>>, %arg2: memref<1x1024xf32, #tpu.memory_space<vmem>>, %arg3: memref<1x1024xi32, #tpu.memory_space<vmem>>, %arg4: memref<1x128xf32, #tpu.memory_space<vmem>>, %arg5: memref<1x1024xf32, #tpu.memory_space<vmem>>, %arg6: memref<1x1xf32, #tpu.memory_space<vmem>>) attributes {dimension_semantics = [], scalar_prefetch = 0 : i64, scratch_operands = 0 : i64, tpu.core_type = #tpu.core_type<tc>} {
    %broadcast_in_dim3A = arith.constant 1.000000e+00 : f32
    %broadcast_in_dim3A_0 = vector.broadcast %broadcast_in_dim3A : f32 to vector<1x32xf32>
    %get3A = arith.constant 0 : index
    %get3A_1 = arith.constant 0 : index
    %get3A_2 = vector.load %arg0[%get3A, %get3A_1] : memref<32x1024xf32, #tpu.memory_space<vmem>>, vector<32x1024xf32>
    %dot_general3A = arith.constant dense<0.000000e+00> : vector<1x1024xf32>
    %dot_general3A_3 = tpu.matmul %broadcast_in_dim3A_0, %get3A_2, %dot_general3A {dimension_numbers = #tpu.dot_dimension_numbers<[1], [0], [0], [1], [0, 0, 1, 1], [], []>, transpose_lhs_hint = false} : vector<1x32xf32>, vector<32x1024xf32>, vector<1x1024xf32> -> vector<1x1024xf32>
    %get3A_4 = arith.constant 0 : index
    %get3A_5 = arith.constant 0 : index
    %get3A_6 = vector.load %arg1[%get3A_4, %get3A_5] : memref<32x1024xf32, #tpu.memory_space<vmem>>, vector<32x1024xf32>
    %dot_general3A_7 = arith.constant dense<0.000000e+00> : vector<1x1024xf32>
    %dot_general3A_8 = tpu.matmul %broadcast_in_dim3A_0, %get3A_6, %dot_general3A_7 {dimension_numbers = #tpu.dot_dimension_numbers<[1], [0], [0], [1], [0, 0, 1, 1], [], []>, transpose_lhs_hint = false} : vector<1x32xf32>, vector<32x1024xf32>, vector<1x1024xf32> -> vector<1x1024xf32>
    %gt3A = arith.constant 0.000000e+00 : f32
    %gt3A_9 = vector.broadcast %gt3A : f32 to vector<1x1024xf32>
    %gt3A_10 = arith.cmpf ogt, %dot_general3A_3, %gt3A_9 : vector<1x1024xf32>
    %jit3A = arith.constant 1.000000e+00 : f32
    %broadcast_in_dim3A_11 = vector.broadcast %jit3A : f32 to vector<1x1024xf32>
    %select_n3A = arith.select %gt3A_10, %dot_general3A_3, %broadcast_in_dim3A_11 : vector<1x1024xi1>, vector<1x1024xf32>
    %log3A = math.log %select_n3A : vector<1x1024xf32>
    %div3A = arith.divf %dot_general3A_8, %select_n3A : vector<1x1024xf32>
    %sub3A = arith.subf %log3A, %div3A : vector<1x1024xf32>
    %jit3A_12 = arith.constant 0.000000e+00 : f32
    %broadcast_in_dim3A_13 = vector.broadcast %jit3A_12 : f32 to vector<1x1024xf32>
    %select_n3A_14 = arith.select %gt3A_10, %sub3A, %broadcast_in_dim3A_13 : vector<1x1024xi1>, vector<1x1024xf32>
    %reduce_sum3A = vector.shape_cast %select_n3A_14 : vector<1x1024xf32> to vector<1x1x1024xf32>
    %reduce_sum3A_15 = arith.constant dense<0.000000e+00> : vector<1xf32>
    %reduce_sum3A_16 = vector.multi_reduction <add>, %reduce_sum3A, %reduce_sum3A_15 [1, 2] : vector<1x1x1024xf32> to vector<1xf32>
    %reduce_sum3A_17 = vector.shape_cast %reduce_sum3A_16 : vector<1xf32> to vector<1x1x1xf32>
    %reduce_sum3A_18 = vector.extract %reduce_sum3A_17[0, 0, 0] : f32 from vector<1x1x1xf32>
    %broadcast_in_dim3A_19 = vector.broadcast %reduce_sum3A_18 : f32 to vector<1x1xf32>
    %mul3A = arith.constant 9.765625E-4 : f32
    %mul3A_20 = vector.broadcast %mul3A : f32 to vector<1x1xf32>
    %mul3A_21 = arith.mulf %broadcast_in_dim3A_19, %mul3A_20 : vector<1x1xf32>
    %swap3A = arith.constant 0 : index
    %swap3A_22 = arith.constant 0 : index
    %swap3A_23 = vector.load %arg6[%swap3A, %swap3A_22] : memref<1x1xf32, #tpu.memory_space<vmem>>, vector<1x1xf32>
    tpu.vector_store %arg6[%swap3A, %swap3A_22], %mul3A_21 {strides = array<i32>} : memref<1x1xf32, #tpu.memory_space<vmem>>, vector<1x1xf32>,
    %iota3A = tpu.iota {dimensions = array<i32: 0>} : vector<1024x1024xi32>
    %get3A_24 = arith.constant 0 : index
    %get3A_25 = arith.constant 0 : index
    %get3A_26 = vector.load %arg3[%get3A_24, %get3A_25] : memref<1x1024xi32, #tpu.memory_space<vmem>>, vector<1x1024xi32>
    %eq3A = vector.broadcast %get3A_26 : vector<1x1024xi32> to vector<1024x1024xi32>
    %eq3A_27 = arith.cmpi eq, %iota3A, %eq3A : vector<1024x1024xi32>
    %convert_element_type3A = arith.extui %eq3A_27 : vector<1024x1024xi1> to vector<1024x1024xi32>
    %convert_element_type3A_28 = arith.sitofp %convert_element_type3A : vector<1024x1024xi32> to vector<1024x1024xf32>
    %dot_general3A_29 = arith.constant dense<0.000000e+00> : vector<1x1024xf32>
    %dot_general3A_30 = tpu.matmul %log3A, %convert_element_type3A_28, %dot_general3A_29 {dimension_numbers = #tpu.dot_dimension_numbers<[1], [0], [0], [1], [0, 0, 1, 1], [], []>, transpose_lhs_hint = false} : vector<1x1024xf32>, vector<1024x1024xf32>, vector<1x1024xf32> -> vector<1x1024xf32>
    %get3A_31 = arith.constant 0 : index
    %get3A_32 = arith.constant 0 : index
    %get3A_33 = vector.load %arg2[%get3A_31, %get3A_32] : memref<1x1024xf32, #tpu.memory_space<vmem>>, vector<1x1024xf32>
    %get3A_34 = arith.constant 0 : index
    %get3A_35 = arith.constant 0 : index
    %get3A_36 = vector.load %arg4[%get3A_34, %get3A_35] : memref<1x128xf32, #tpu.memory_space<vmem>>, vector<1x1xf32>
    %sub3A_37 = vector.broadcast %get3A_36 : vector<1x1xf32> to vector<1x1024xf32>
    %sub3A_38 = arith.subf %get3A_33, %sub3A_37 : vector<1x1024xf32>
    %sub3A_39 = arith.subf %sub3A_38, %dot_general3A_30 : vector<1x1024xf32>
    %swap3A_40 = arith.constant 0 : index
    %swap3A_41 = arith.constant 0 : index
    %swap3A_42 = vector.load %arg5[%swap3A_40, %swap3A_41] : memref<1x1024xf32, #tpu.memory_space<vmem>>, vector<1x1024xf32>
    tpu.vector_store %arg5[%swap3A_40, %swap3A_41], %sub3A_39 {strides = array<i32>} : memref<1x1024xf32, #tpu.memory_space<vmem>>, vector<1x1024xf32>,
    return
  }
}

module attributes {stable_mosaic.version = 14 : i64} {
  func.func @_logits_body(%arg0: i32, %arg1: memref<14336x128xf32, #tpu.memory_space<vmem>>, %arg2: memref<1x1x128xf32, #tpu.memory_space<vmem>>, %arg3: memref<1x1xf32, #tpu.memory_space<vmem>>, %arg4: memref<112x128xf32, #tpu.memory_space<vmem>>, %arg5: memref<1x128xf32, #tpu.memory_space<vmem>>) attributes {dimension_semantics = [#tpu.dimension_semantics<arbitrary>], iteration_bounds = array<i64: 7>, scalar_prefetch = 0 : i64, scratch_operands = 0 : i64, tpu.core_type = #tpu.core_type<tc>, window_params = [{transform_indices = @transform_0, window_bounds = array<i64: 14336, 128>}, {pipeline_mode = #tpu.pipeline_mode<synchronous>, transform_indices = @transform_1, window_bounds = array<i64: 1, 1, 128>}, {pipeline_mode = #tpu.pipeline_mode<synchronous>, transform_indices = @transform_2, window_bounds = array<i64: 1, 1>}, {transform_indices = @transform_3, window_bounds = array<i64: 112, 128>}, {pipeline_mode = #tpu.pipeline_mode<synchronous>, transform_indices = @transform_4, window_bounds = array<i64: 1, 128>}]} {
    %get3A = arith.constant 0 : index
    %get3A_0 = arith.constant 0 : index
    %get3A_1 = vector.load %arg1[%get3A, %get3A_0] : memref<14336x128xf32, #tpu.memory_space<vmem>>, vector<14336x128xf32>
    %reshape3A = vector.shape_cast %get3A_1 : vector<14336x128xf32> to vector<112x128x128xf32>
    %get3A_2 = arith.constant 0 : index
    %get3A_3 = arith.constant 0 : index
    %get3A_4 = arith.constant 0 : index
    %get3A_5 = vector.load %arg2[%get3A_2, %get3A_3, %get3A_4] : memref<1x1x128xf32, #tpu.memory_space<vmem>>, vector<1x1x128xf32>
    %mul3A = vector.broadcast %get3A_5 : vector<1x1x128xf32> to vector<112x128x128xf32>
    %mul3A_6 = arith.mulf %reshape3A, %mul3A : vector<112x128x128xf32>
    %reduce_sum3A = arith.constant dense<0.000000e+00> : vector<112x128xf32>
    %reduce_sum3A_7 = vector.multi_reduction <add>, %mul3A_6, %reduce_sum3A [2] : vector<112x128x128xf32> to vector<112x128xf32>
    %get3A_8 = arith.constant 0 : index
    %get3A_9 = arith.constant 0 : index
    %get3A_10 = vector.load %arg3[%get3A_8, %get3A_9] : memref<1x1xf32, #tpu.memory_space<vmem>>, vector<1x1xf32>
    %add3A = vector.broadcast %get3A_10 : vector<1x1xf32> to vector<112x128xf32>
    %add3A_11 = arith.addf %reduce_sum3A_7, %add3A : vector<112x128xf32>
    %mul3A_12 = arith.constant 14336 : i32
    %mul3A_13 = arith.muli %arg0, %mul3A_12 : i32
    %iota3A = tpu.iota {dimensions = array<i32: 0>} : vector<112x128xi32>
    %mul3A_14 = arith.constant 128 : i32
    %mul3A_15 = vector.broadcast %mul3A_14 : i32 to vector<112x128xi32>
    %mul3A_16 = arith.muli %iota3A, %mul3A_15 : vector<112x128xi32>
    %add3A_17 = vector.broadcast %mul3A_13 : i32 to vector<112x128xi32>
    %add3A_18 = arith.addi %add3A_17, %mul3A_16 : vector<112x128xi32>
    %iota3A_19 = tpu.iota {dimensions = array<i32: 1>} : vector<112x128xi32>
    %add3A_20 = arith.addi %add3A_18, %iota3A_19 : vector<112x128xi32>
    %lt3A = arith.constant 100000 : i32
    %lt3A_21 = vector.broadcast %lt3A : i32 to vector<112x128xi32>
    %lt3A_22 = arith.cmpi slt, %add3A_20, %lt3A_21 : vector<112x128xi32>
    %jit3A = arith.constant -1.000000e+30 : f32
    %broadcast_in_dim3A = vector.broadcast %jit3A : f32 to vector<112x128xf32>
    %select_n3A = arith.select %lt3A_22, %add3A_11, %broadcast_in_dim3A : vector<112x128xi1>, vector<112x128xf32>
    %swap3A = arith.constant 0 : index
    %swap3A_23 = arith.constant 0 : index
    %swap3A_24 = vector.load %arg4[%swap3A, %swap3A_23] : memref<112x128xf32, #tpu.memory_space<vmem>>, vector<112x128xf32>
    tpu.vector_store %arg4[%swap3A, %swap3A_23], %select_n3A {strides = array<i32>} : memref<112x128xf32, #tpu.memory_space<vmem>>, vector<112x128xf32>,
    %eq3A = arith.constant 0 : i32
    %eq3A_25 = arith.cmpi eq, %arg0, %eq3A : i32
    %convert_element_type3A = arith.extui %eq3A_25 : i1 to i32
    %cond3A = arith.constant 0 : i32
    %cond3A_26 = arith.cmpi ne, %convert_element_type3A, %cond3A : i32
    scf.if %cond3A_26 {
      %broadcast_in_dim3A_38 = arith.constant -1.000000e+30 : f32
      %broadcast_in_dim3A_39 = vector.broadcast %broadcast_in_dim3A_38 : f32 to vector<1x128xf32>
      %swap3A_40 = arith.constant 0 : index
      %swap3A_41 = arith.constant 0 : index
      %swap3A_42 = vector.load %arg5[%swap3A_40, %swap3A_41] : memref<1x128xf32, #tpu.memory_space<vmem>>, vector<1x128xf32>
      tpu.vector_store %arg5[%swap3A_40, %swap3A_41], %broadcast_in_dim3A_39 {strides = array<i32>} : memref<1x128xf32, #tpu.memory_space<vmem>>, vector<1x128xf32>,
    } else {
    }
    %get3A_27 = arith.constant 0 : index
    %get3A_28 = arith.constant 0 : index
    %get3A_29 = vector.load %arg5[%get3A_27, %get3A_28] : memref<1x128xf32, #tpu.memory_space<vmem>>, vector<1x128xf32>
    %reduce_max3A = vector.shape_cast %select_n3A : vector<112x128xf32> to vector<1x112x128xf32>
    %reduce_max3A_30 = arith.constant dense<0xFF800000> : vector<1xf32>
    %reduce_max3A_31 = vector.multi_reduction <maximumf>, %reduce_max3A, %reduce_max3A_30 [1, 2] : vector<1x112x128xf32> to vector<1xf32>
    %reduce_max3A_32 = vector.shape_cast %reduce_max3A_31 : vector<1xf32> to vector<1x1x1xf32>
    %reduce_max3A_33 = vector.extract %reduce_max3A_32[0, 0, 0] : f32 from vector<1x1x1xf32>
    %max3A = vector.broadcast %reduce_max3A_33 : f32 to vector<1x128xf32>
    %max3A_34 = arith.maximumf %get3A_29, %max3A : vector<1x128xf32>
    %swap3A_35 = arith.constant 0 : index
    %swap3A_36 = arith.constant 0 : index
    %swap3A_37 = vector.load %arg5[%swap3A_35, %swap3A_36] : memref<1x128xf32, #tpu.memory_space<vmem>>, vector<1x128xf32>
    tpu.vector_store %arg5[%swap3A_35, %swap3A_36], %max3A_34 {strides = array<i32>} : memref<1x128xf32, #tpu.memory_space<vmem>>, vector<1x128xf32>,
    return
  }
  func.func @transform_0(%arg0: i32) -> (i32, i32) {
    %c0_i32 = arith.constant 0 : i32
    %c0_i32_0 = arith.constant 0 : i32
    return %arg0, %c0_i32 : i32, i32
  }
  func.func @transform_1(%arg0: i32) -> (i32, i32, i32) {
    %c0_i32 = arith.constant 0 : i32
    %c0_i32_0 = arith.constant 0 : i32
    %c0_i32_1 = arith.constant 0 : i32
    %c0_i32_2 = arith.constant 0 : i32
    return %c0_i32, %c0_i32_0, %c0_i32_1 : i32, i32, i32
  }
  func.func @transform_2(%arg0: i32) -> (i32, i32) {
    %c0_i32 = arith.constant 0 : i32
    %c0_i32_0 = arith.constant 0 : i32
    %c0_i32_1 = arith.constant 0 : i32
    return %c0_i32, %c0_i32_0 : i32, i32
  }
  func.func @transform_3(%arg0: i32) -> (i32, i32) {
    %c0_i32 = arith.constant 0 : i32
    %c0_i32_0 = arith.constant 0 : i32
    return %arg0, %c0_i32 : i32, i32
  }
  func.func @transform_4(%arg0: i32) -> (i32, i32) {
    %c0_i32 = arith.constant 0 : i32
    %c0_i32_0 = arith.constant 0 : i32
    %c0_i32_1 = arith.constant 0 : i32
    return %c0_i32, %c0_i32_0 : i32, i32
  }
}

</mosaic_0001>

<sc_bundles>
// kernel: kernel.5.cloned.1.call-start
scs
__scs_entry_jumppad:
0x0: {  	(pc) =	sbr.rel $0x88, $3  }
0x1: {  	(tag) =	ssettag $0x0;
	lr =	simm.s32 $0x1  }
0x2: {  	[smem:$0x3F9C] =	sst lr;
	_ =	strace $0xD0000000  }
0x3: {  	_ = 	snop  }
0x4: {  	_ = 	snop  }
0x5: {  	_ = 	snop  }
0x6: {  	_ = 	snop  }
0x7: {  	_ = 	snop  }
__scs_overlays_trampoline_lowered:
0x8: {  	[smem:$0x3FAB] =	sst s0  }
0x9: {  	[smem:$0x3FAC] =	sst s1  }
0xa: {  	[smem:$0x3FAD] =	sst s2  }
0xb: {  	[smem:$0x3FAE] =	sst s3  }
0xc: {  	[smem:$0x3FAF] =	sst s4  }
0xd: {  	[smem:$0x3FB0] =	sst s5  }
0xe: {  	[smem:$0x3FB1] =	sst s6  }
0xf: {  	[smem:$0x3FB2] =	sst s7  }
0x10: {  	[smem:$0x3FB3] =	sst s8  }
0x11: {  	[smem:$0x3FB4] =	sst s9;
	s0 =	simm.s32 @!p0 $0x0  }
0x12: {  	s1 =	sld [smem:$0x3F9A];
	s0 =	simm.s32 @p0 $0x1  }
0x13: {  	[smem:$0x3FB5] =	sst s0;
	s0 =	simm.s32 @!p1 $0x0  }
0x14: {  	s2 =	sld [smem:$0x3F99];
	s0 =	simm.s32 @p1 $0x1  }
0x15: {  	[smem:$0x3FB6] =	sst s0;
	s0 =	simm.s32 @!p2 $0x0  }
0x16: {  	s3 =	sld [smem:$0x3FDB];
	s0 =	simm.s32 @p2 $0x1  }
0x17: {  	s4 =	simm.s32 $0x1BF5;
	[smem:$0x3FB8] =	sst s0  }
0x18: {  	s0 =	sld [smem:$0x3F9B];
	_ =	swait.ge [sflag:s4], $0x0  }
0x19: {  	s7 =	sld [smem:$0x3F9C]  }
0x1a: {  	s8 =	sadd.s32 $0xFFFFE003, lr  }
0x1b: {  	s9 =	sadd.s32 $0xFFFFFEF7, lr;
	s5 =	simm.s32 $0xFFFFFFFF;
	p2 =	slt.u32 s8, $0xFFFFF086  }
0x1c: {  	p1 =	slt.u32 s9, $0xF7A;
	s5 =	simm.s32 @!p2 $0x0  }
0x1d: {  	s5 =	simm.s32 @p1 $0x1;
	p0 =	seq.s32 s7, s2  }
0x1e: {  	s7 =	smul.u32 @!p0 $0xF7A, s2;
	p2 =	seq.s32 @!p0 s5, $0x0  }
0x1f: {  	s9 =	smul.u32 $0xF7A, s1;
	s8 =	simm.s32 @!p0 $0x1BF5;
	p2 =	por !p2, p0  }
0x20: {  	[sflag:s8] =	ssyncset.s32 @!p0 $0xFFFFF086;
	s6 =	sadd.s32 @!p0 s3, s7;
	s7 =	simm.s32 @!p0 $0x108  }
0x21: {  	s3 =	sadd.s32 s3, s9;
	s6 =	sadd.s32 @!p0 $0x88, s6;
	s7 =	simm.s32 @p2 $0x1082  }
0x22: {  	[simem:s7], [sflag:s8] =	dma.local @!p0 [hbm:s6], $0xF7A  }
0x23: {  	s9 =	sor.u32 $0xD0000000, s2;
	s6 =	simm.s32 $0x108;
	_ =	swait.ge @!p0 [sflag:s8], $0x0  }
0x24: {  	s3 =	sadd.s32 $0x88, s3;
	s6 =	simm.s32 @!p1 $0x1082;
	[sflag:s4] =	ssyncset.s32 $0xFFFFF086  }
0x25: {  	[simem:s6], [sflag:s4] =	dma.local [hbm:s3], $0xF7A  }
0x26: {  	[smem:$0x3F9C] =	sst s1;
	(tag) =	ssettag s2;
	_ =	strace s9  }
0x27: {  	s1 =	sld [smem:$0x3FAC]  }
0x28: {  	s2 =	sld [smem:$0x3FAD]  }
0x29: {  	s4 =	sld [smem:$0x3FAF]  }
0x2a: {  	p0 =	seq.s32 s5, $0x0;
	s5 =	sld [smem:$0x3FB0]  }
0x2b: {  	s6 =	sld [smem:$0x3FB1]  }
0x2c: {  	s7 =	sld [smem:$0x3FB2]  }
0x2d: {  	s3 =	simm.s32 $0x108;
	s8 =	sld [smem:$0x3FB3]  }
0x2e: {  	s3 =	simm.s32 @!p0 $0x1082;
	s9 =	sld [smem:$0x3FB4]  }
0x2f: {  	lr =	sadd.s32 s0, s3;
	s0 =	sld [smem:$0x3FAB]  }
0x30: {  	s3 =	sld [smem:$0x3FAE]  }
0x31: {  	[smem:$0x3FB7] =	sst s10  }
0x32: {  	s10 =	sld [smem:$0x3FB5];
	_ =	sdelay $0x3  }
0x33: {  	p0 =	seq.s32 s10, $0x1;
	s10 =	sld [smem:$0x3FB7];
	_ =	sdelay $0x3  }
0x34: {  	[smem:$0x3FB7] =	sst s10  }
0x35: {  	s10 =	sld [smem:$0x3FB6];
	_ =	sdelay $0x3  }
0x36: {  	p1 =	seq.s32 s10, $0x1;
	s10 =	sld [smem:$0x3FB7];
	_ =	sdelay $0x3  }
0x37: {  	[smem:$0x3FB7] =	sst s10  }
0x38: {  	s10 =	sld [smem:$0x3FB8]  }
0x39: {  	_ = 	snop;
	(pc) =	sbr.ind lr, $3  }
0x3a: {  	_ = 	snop  }
0x3b: {  	_ = 	snop  }
0x3c: {  	p2 =	seq.s32 s10, $0x1;
	s10 =	sld [smem:$0x3FB7]  }
0x3d: {  	_ =	shalt  }
0x3e: {  	_ =	shalt  }
0x3f: {  	_ =	shalt  }
0x40: {  	_ =	shalt  }
0x41: {  	_ =	shalt  }
0x42: {  	_ =	shalt  }
0x43: {  	_ =	shalt  }
0x44: {  	_ =	shalt  }
0x45: {  	_ =	shalt  }
0x46: {  	_ =	shalt  }
0x47: {  	_ =	shalt  }
0x48: {  	_ =	shalt  }
0x49: {  	_ =	shalt  }
0x4a: {  	_ =	shalt  }
0x4b: {  	_ =	shalt  }
0x4c: {  	_ =	shalt  }
0x4d: {  	_ =	shalt  }
0x4e: {  	_ =	shalt  }
0x4f: {  	_ =	shalt  }
0x50: {  	_ =	shalt  }
0x51: {  	_ =	shalt  }
0x52: {  	_ =	shalt  }
0x53: {  	_ =	shalt  }
0x54: {  	_ =	shalt  }
0x55: {  	_ =	shalt  }
0x56: {  	_ =	shalt  }
0x57: {  	_ =	shalt  }
0x58: {  	_ =	shalt  }
0x59: {  	_ =	shalt  }
0x5a: {  	_ =	shalt  }
0x5b: {  	_ =	shalt  }
0x5c: {  	_ =	shalt  }
0x5d: {  	_ =	shalt  }
0x5e: {  	_ =	shalt  }
0x5f: {  	_ =	shalt  }
0x60: {  	_ =	shalt  }
0x61: {  	_ =	shalt  }
0x62: {  	_ =	shalt  }
0x63: {  	_ =	shalt  }
0x64: {  	_ =	shalt  }
0x65: {  	_ =	shalt  }
0x66: {  	_ =	shalt  }
0x67: {  	_ =	shalt  }
0x68: {  	_ =	shalt  }
0x69: {  	_ =	shalt  }
0x6a: {  	_ =	shalt  }
0x6b: {  	_ =	shalt  }
0x6c: {  	_ =	shalt  }
0x6d: {  	_ =	shalt  }
0x6e: {  	_ =	shalt  }
0x6f: {  	_ =	shalt  }
0x70: {  	_ =	shalt  }
0x71: {  	_ =	shalt  }
0x72: {  	_ =	shalt  }
0x73: {  	_ =	shalt  }
0x74: {  	_ =	shalt  }
0x75: {  	_ =	shalt  }
0x76: {  	_ =	shalt  }
0x77: {  	_ =	shalt  }
0x78: {  	_ =	shalt  }
0x79: {  	_ =	shalt  }
0x7a: {  	_ =	shalt  }
0x7b: {  	_ =	shalt  }
0x7c: {  	_ =	shalt  }
0x7d: {  	_ =	shalt  }
0x7e: {  	_ =	shalt  }
0x7f: {  	_ =	shalt  }
0x80: {  	_ =	shalt  }
0x81: {  	_ =	shalt  }
0x82: {  	_ =	shalt  }
0x83: {  	_ =	shalt  }
0x84: {  	_ =	shalt  }
0x85: {  	_ =	shalt  }
0x86: {  	_ =	shalt  }
0x87: {  	_ =	shalt  }
.Lfunc_end0:
.L_simem_size_0:
called_computation_lowered:
.L_overlay_start_0:
0x88: {  	s2 =	sld [smem:$0x3FD9]  }
0x89: {  	s3 =	sld [smem:$0x3FFE];
	_ =	sdelay $0x1  }
0x8a: {  	s1 =	srdreg.scid  }
0x8b: {  	s0 =	sand.u32 $0x1, s1  }
0x8c: {  	s14 =	sshll.u32 s0, $0xA;
	s2 =	sadd.s32 s3, s2  }
0x8d: {  	s2 =	sadd.s32 s2, s14  }
0x8e: {  	[smem:$0x3FC3] =	sst s2  }
0x8f: {  	_ = 	snop  }
0x90: {  	s2 =	sld [smem:$0x3FD0];
	_ =	sdelay $0x1  }
0x91: {  	s15 =	sld [smem:$0x3FC9]  }
0x92: {  	s5 =	simm.s32 $0xA;
	s6 =	simm.s32 $0x10;
	s4 =	sld [smem:$0x3FC7]  }
0x93: {  	[smem:s6], [sflag:s5] =	dma.local [hbm:s2], $0x1  }
0x94: {  	_ =	swait.eq [sflag:s5], $0x1  }
0x95: {  	[sflag:s5] =	ssyncset.done $0x0  }
0x96: {  	s16 =	sld [smem:$0x10];
	[sflag:s5] =	ssyncadd.s32 $0xFFFFFFFF  }
0x97: {  	s17 =	sld [smem:$0x11];
	(tm) =	ssettm $0x1  }
0x98: {  	s18 =	sld [smem:$0x3FFB];
	_ =	sdelay $0x3  }
0x99: {  	_ =	strace s18  }
0x9a: {  	s6 =	sld [smem:$0x3FFC];
	_ =	sdelay $0x3  }
0x9b: {  	_ =	strace s6  }
0x9c: {  	s6 =	sld [smem:$0x3FFD];
	_ =	sdelay $0x3  }
0x9d: {  	_ =	strace s6  }
0x9e: {  	_ =	strace $0x8FFFFFFF  }
0x9f: {  	s19 =	sld [smem:$0x3FDB];
	_ =	sdelay $0x1  }
0xa0: {  	s7 =	simm.s32 $_scs_section_size  }
0xa1: {  	s8 =	simm.s32 $_size__tile_overlayer_lowered;
	s9 =	simm.s32 $_tile_overlayer_lowered  }
0xa2: {  	s22 =	simm.s32 $0x1BFF;
	s21 =	sshll.u32 s9, $0x1;
	s6 =	sadd.s32 s7, s19  }
0xa3: {  	s10 =	simm.s32 $0x0;
	s20 =	sshll.u32 s8, $0x1;
	s8 =	sadd.s32 s21, s6  }
0xa4: {  	[timem:s10], [sflag:s22] =	dma.local [hbm:s8], s20  }
0xa5: {  	_ =	swait.ge [sflag:s22], s20  }
0xa6: {  	s7 =	ssub.s32 $0x0, s20;
	[sflag:s22] =	ssyncset.done $0x0  }
0xa7: {  	[sflag:s22] =	ssyncadd.s32 s7;
	_ =	sdelay $0x1  }
0xa8: {  	s23 =	simm.s32 $0x1B8B  }
0xa9: {  	_ =	swait.ge [sflag:s23], $0x1  }
0xaa: {  	[sflag:s23] =	ssyncset.done $0x0  }
0xab: {  	s25 =	simm.s32 $0x1B8E;
	s24 =	sld [smem:$0x3FFE];
	[sflag:s23] =	ssyncadd.s32 $0xFFFFFFFF  }
0xac: {  	s26 =	simm.s32 $execute0_lowered;
	[smem:$0x3FD2] =	sst s25  }
0xad: {  	s8 =	sshll.u32 s26, $0x1;
	_ =	strace $0x80000046;
	[dreg:$0x1] =	wrdreg $0xFFFFFFFF  }
0xae: {  	s28 =	simm.s32 $_size_execute0_lowered;
	s6 =	sadd.s32 s6, s8;
	[dreg:$0x0] =	wrdreg $0x0  }
0xaf: {  	s8 =	sshll.u32 s28, $0x1;
	[dreg:$0x2] =	wrdreg s6  }
0xb0: {  	[dreg:$0x3] =	wrdreg s8  }
0xb1: {  	[dreg:$0x4] =	wrdreg $0xC0  }
0xb2: {  	_ =	task [dreg:s10], $0x5FFFF  }
0xb3: {  	[dreg:$0x1] =	wrdreg $0xFFFFFFFF  }
0xb4: {  	[dreg:$0x0] =	wrdreg $0x60  }
0xb5: {  	[dreg:$0x2] =	wrdreg s24  }
0xb6: {  	[dreg:$0x3] =	wrdreg s4  }
0xb7: {  	[dreg:$0x4] =	wrdreg s15  }
0xb8: {  	[dreg:$0x5] =	wrdreg s17  }
0xb9: {  	[dreg:$0x6] =	wrdreg s16  }
0xba: {  	[dreg:$0x7] =	wrdreg $0x9  }
0xbb: {  	_ =	task.clear_ibuf [dreg:s10], $0x8FFFF;
	_ =	strace $0x90000046  }
0xbc: {  	s29 =	simm.s32 $0x9;
	_ =	strace $0x80000048  }
0xbd: {  	_ =	swait.ge [sflag:s29], $0x1  }
0xbe: {  	[sflag:s29] =	ssyncadd.s32 $0xFFFFFFFF  }
0xbf: {  	_ =	strace $0x90000048  }
0xc0: {  	_ =	sfence  }
0xc1: {  	s30 =	sld [smem:$0x0];
	_ =	sdelay $0x2  }
0xc2: {  	s31 =	sshll.u32 s1, $0xD;
	s1 =	sshrl.u32 s1, $0x2  }
0xc3: {  	s3 =	sand.u32 $0x4000, s31;
	s1 =	sadd.s32 s1, s30  }
0xc4: {  	s0 =	sor.u32 s3, s0;
	s1 =	sshll.u32 s1, $0x11  }
0xc5: {  	s0 =	sor.u32 s1, s0  }
0xc6: {  	s0 =	sadd.s32 $0x8F2B, s0  }
0xc7: {  	[sflag:s0] =	ssyncadd.remote.s32 $0x1  }
0xc8: {  	_ =	sfence.sel $0xFFFF  }
0xc9: {  	[dreg:$0x0] =	wrdreg $0xFFFFFFFF;
	(pc) =	sbr.abs _section_cstart, $3  }
0xca: {  	[dreg:$0x1] =	wrdreg $0xFFFFFFFF  }
0xcb: {  	_ =	task.clear_ibuf [dreg:s10], $0x2FFFF;
	_ =	strace $0x9FFFFFFF  }
0xcc: {  	(tm) =	ssettm $0x7FFFFFFF  }
0xcd: {  	_ =	shalt  }
tec
execute0_lowered:
.L_overlay_start_1:
0x0: {  	(tag) =	ssettag $0x1  }
0x1: {  	s0 =	rddreg [dreg:$0x0]  }
0x2: {  	s1 =	rddreg [dreg:$0x1]  }
0x3: {  	s2 =	rddreg [dreg:$0x2];
	s4 =	srdreg.scid  }
0x4: {  	s3 =	stileid.u32;
	s12 =	rddreg [dreg:$0x4]  }
0x5: {  	s16 =	simm.s32 $0x2180;
	s17 =	simm.s32 $0x2;
	s18 =	simm.s32 $0x20  }
0x6: {  	s19 =	simm.s32 $0x2200;
	s20 =	simm.s32 $0x2280;
	s21 =	simm.s32 $0x1  }
0x7: {  	s22 =	simm.s32 $0x1900;
	s23 =	simm.s32 $0x1D00;
	s24 =	simm.s32 $0x80  }
0x8: {  	s25 =	simm.s32 $0x400;
	s26 =	simm.s32 $0x3;
	s28 =	simm.s32 $0x4  }
0x9: {  	s29 =	simm.s32 $0x0;
	s6 =	sand.u32 $0x1, s4;
	s5 =	sshll.u32 s3, $0x1  }
0xa: {  	s4 =	simm.s32 $0x0;
	s31 =	sshll.u32 s3, $0x8;
	s15 =	sor.u32 s6, s5  }
0xb: {  	[smem:$0x7FF] =	sst s4;
	s5 =	sadd.s32 $0x1C00, s0;
	s6 =	ssub.s32 $0x2, s6  }
0xc: {  	v0 =	vimm.s32 $0xEDCBA987;
	s7 =	sshll.u32 s15, $0x4;
	_ =	strace $0x80000047;
	s13 =	sshll.u32 s15, $0x2  }
0xd: {  	v1 =	vimm.s32 $0x65432100;
	v0 =	vunpack.c.l.s4.s8 v0;
	s8 =	sshrl.u32 s6, $0x1;
	s9 =	smul.u32 $0x188, s15;
	p0 =	seq.s32 s15, $0x1F  }
0xe: {  	v1 =	vunpack.c.l.s4.s8 v1;
	s15 =	simm.s32 $0x2100;
	s7 =	sor.u32 s31, s7;
	s14 =	ssub.s32 s6, s8  }
0xf: {  	v2 =	vunpack.c.0.s8.s32 v0;
	s12 =	sadd.s32 s12, s13;
	s7 =	sand.u32 $0xC70, s7;
	s6 =	sadd.s32 s5, s9  }
0x10: {  	v3 =	vunpack.c.0.s8.s32 v1;
	s8 =	sadd.s32 s1, s9;
	s9 =	sadd.s32 $0x2F78, s1;
	s14 =	smax.u32 s14, $0x1  }
0x11: {  	vm0 =	vcmask $0x3F3C;
	v0 =	vimm.s32 $0xFFFFFFFF;
	v4 =	vand.u32 $0xF, v2;
	s11 =	sadd.s32 s7, s0;
	s0 =	sadd.s32 s13, s0;
	s7 =	sadd.s32 s2, s13  }
0x12: {  	v1 =	vimm.f32 $0.0e+00;
	v2 =	vlaneseq.u32;
	v3 =	vcombine.low v3, v4;
	s10 =	sadd.s32 $0x4E00, s11;
	s11 =	sadd.s32 $0x5E00, s11;
	s13 =	sadd.s32 $0x6E00, s0  }
.LBB2_1:
0x13: {  	[tilespmem:s4], [sflag:$0x1] =	stream.linear.gather [hbm4b:s6+s4], $0xC40, $0x38;
	[tilespmem:$0x2300] =	vst v63  }
0x14: {  	s0 =	rddreg [dreg:$0x3]  }
0x15: {  	[tilespmem:s15], [sflag:$0x1] =	stream.linear.gather [hbm4b:s0+s4], $0x80, $0x38;
	[tilespmem:$0x2300] =	vst v63  }
0x16: {  	_ = 	snop  }
0x17: {  	v4 =	vimm.s32 @p0 $0x0;
	[tilespmem:s16], [sflag:$0x2] =	stream.linear.gather [hbm4b:s7+s4], $0x20, $0x38;
	[tilespmem:$0x2300] =	vst v63  }
0x18: {  	[tilespmem:$0x1760] =	vst @p0 v4  }
0x19: {  	[tilespmem:$0x1770] =	vst @p0 v4  }
0x1a: {  	[tilespmem:$0x1780] =	vst @p0 v4  }
0x1b: {  	[tilespmem:$0x1790] =	vst @p0 v4  }
0x1c: {  	[tilespmem:$0x17A0] =	vst @p0 v4  }
0x1d: {  	[tilespmem:$0x17B0] =	vst @p0 v4  }
0x1e: {  	[tilespmem:$0x17C0] =	vst @p0 v4  }
0x1f: {  	[tilespmem:$0x17D0] =	vst @p0 v4  }
0x20: {  	[tilespmem:$0x17E0] =	vst @p0 v4  }
0x21: {  	[tilespmem:$0x17F0] =	vst @p0 v4  }
0x22: {  	[tilespmem:$0x1800] =	vst @p0 v4  }
0x23: {  	[tilespmem:$0x1810] =	vst @p0 v4  }
0x24: {  	[tilespmem:$0x1820] =	vst @p0 v4  }
0x25: {  	[tilespmem:$0x1830] =	vst @p0 v4  }
0x26: {  	[tilespmem:$0x1840] =	vst @p0 v4  }
0x27: {  	[tilespmem:$0x1850] =	vst @p0 v4  }
0x28: {  	[tilespmem:$0x1860] =	vst @p0 v4  }
0x29: {  	[tilespmem:$0x1870] =	vst @p0 v4  }
0x2a: {  	[tilespmem:$0x1880] =	vst @p0 v4  }
0x2b: {  	[tilespmem:$0x1890] =	vst @p0 v4  }
0x2c: {  	[tilespmem:$0x18A0] =	vst @p0 v4  }
0x2d: {  	s2 =	simm.s32 @p0 $0xC80;
	s0 =	simm.s32 @p0 $0x0;
	[tilespmem:$0x18B0] =	vst @p0 v4  }
0x2e: {  	[tilespmem:s2], [sflag:$0x5] =	stream.linear.gather @p0 [hbm4b:s9+s0], $0xAE0, $0x38;
	[tilespmem:$0x2300] =	vst v63  }
0x2f: {  	s0 =	simm.s32 @p0 $0x5  }
0x30: {  	_ =	swait.ge @p0 [sflag:s0], $0xAE0  }
0x31: {  	[sflag:s0] =	ssyncset.done @p0 $0x0  }
0x32: {  	s2 =	simm.s32 @!p0 $0xC80;
	[sflag:s0] =	ssyncadd.s32 @p0 $0xFFFFF520;
	s0 =	simm.s32 @!p0 $0x0  }
0x33: {  	[tilespmem:s2], [sflag:$0x5] =	stream.linear.gather @!p0 [hbm4b:s8+s0], $0xC40, $0x38;
	[tilespmem:$0x2300] =	vst v63  }
0x34: {  	s0 =	simm.s32 @!p0 $0x5  }
0x35: {  	_ =	swait.ge @!p0 [sflag:s0], $0xC40  }
0x36: {  	[sflag:s0] =	ssyncset.done @!p0 $0x0  }
0x37: {  	[sflag:s0] =	ssyncadd.s32 @!p0 $0xFFFFF3C0  }
0x38: {  	[tilespmem:$0x18C0] =	vst v0  }
0x39: {  	[tilespmem:$0x1900] =	vst v1  }
0x3a: {  	[tilespmem:$0x1D00] =	vst v1  }
0x3b: {  	[tilespmem:$0x1910] =	vst v1  }
0x3c: {  	[tilespmem:$0x1D10] =	vst v1  }
0x3d: {  	[tilespmem:$0x1920] =	vst v1  }
0x3e: {  	[tilespmem:$0x1D20] =	vst v1  }
0x3f: {  	[tilespmem:$0x1930] =	vst v1  }
0x40: {  	[tilespmem:$0x1D30] =	vst v1  }
0x41: {  	[tilespmem:$0x1940] =	vst v1  }
0x42: {  	[tilespmem:$0x1D40] =	vst v1  }
0x43: {  	[tilespmem:$0x1950] =	vst v1  }
0x44: {  	[tilespmem:$0x1D50] =	vst v1  }
0x45: {  	[tilespmem:$0x1960] =	vst v1  }
0x46: {  	[tilespmem:$0x1D60] =	vst v1  }
0x47: {  	[tilespmem:$0x1970] =	vst v1  }
0x48: {  	[tilespmem:$0x1D70] =	vst v1  }
0x49: {  	[tilespmem:$0x1980] =	vst v1  }
0x4a: {  	[tilespmem:$0x1D80] =	vst v1  }
0x4b: {  	[tilespmem:$0x1990] =	vst v1  }
0x4c: {  	[tilespmem:$0x1D90] =	vst v1  }
0x4d: {  	[tilespmem:$0x19A0] =	vst v1  }
0x4e: {  	[tilespmem:$0x1DA0] =	vst v1  }
0x4f: {  	[tilespmem:$0x19B0] =	vst v1  }
0x50: {  	[tilespmem:$0x1DB0] =	vst v1  }
0x51: {  	[tilespmem:$0x19C0] =	vst v1  }
0x52: {  	[tilespmem:$0x1DC0] =	vst v1  }
0x53: {  	[tilespmem:$0x19D0] =	vst v1  }
0x54: {  	[tilespmem:$0x1DD0] =	vst v1  }
0x55: {  	[tilespmem:$0x19E0] =	vst v1  }
0x56: {  	[tilespmem:$0x1DE0] =	vst v1  }
0x57: {  	[tilespmem:$0x19F0] =	vst v1  }
0x58: {  	[tilespmem:$0x1DF0] =	vst v1  }
0x59: {  	[tilespmem:$0x1A00] =	vst v1  }
0x5a: {  	[tilespmem:$0x1E00] =	vst v1  }
0x5b: {  	[tilespmem:$0x1A10] =	vst v1  }
0x5c: {  	[tilespmem:$0x1E10] =	vst v1  }
0x5d: {  	[tilespmem:$0x1A20] =	vst v1  }
0x5e: {  	[tilespmem:$0x1E20] =	vst v1  }
0x5f: {  	[tilespmem:$0x1A30] =	vst v1  }
0x60: {  	[tilespmem:$0x1E30] =	vst v1  }
0x61: {  	[tilespmem:$0x1A40] =	vst v1  }
0x62: {  	[tilespmem:$0x1E40] =	vst v1  }
0x63: {  	[tilespmem:$0x1A50] =	vst v1  }
0x64: {  	[tilespmem:$0x1E50] =	vst v1  }
0x65: {  	[tilespmem:$0x1A60] =	vst v1  }
0x66: {  	[tilespmem:$0x1E60] =	vst v1  }
0x67: {  	[tilespmem:$0x1A70] =	vst v1  }
0x68: {  	[tilespmem:$0x1E70] =	vst v1  }
0x69: {  	[tilespmem:$0x1A80] =	vst v1  }
0x6a: {  	[tilespmem:$0x1E80] =	vst v1  }
0x6b: {  	[tilespmem:$0x1A90] =	vst v1  }
0x6c: {  	[tilespmem:$0x1E90] =	vst v1  }
0x6d: {  	[tilespmem:$0x1AA0] =	vst v1  }
0x6e: {  	[tilespmem:$0x1EA0] =	vst v1  }
0x6f: {  	[tilespmem:$0x1AB0] =	vst v1  }
0x70: {  	[tilespmem:$0x1EB0] =	vst v1  }
0x71: {  	[tilespmem:$0x1AC0] =	vst v1  }
0x72: {  	[tilespmem:$0x1EC0] =	vst v1  }
0x73: {  	[tilespmem:$0x1AD0] =	vst v1  }
0x74: {  	[tilespmem:$0x1ED0] =	vst v1  }
0x75: {  	[tilespmem:$0x1AE0] =	vst v1  }
0x76: {  	[tilespmem:$0x1EE0] =	vst v1  }
0x77: {  	[tilespmem:$0x1AF0] =	vst v1  }
0x78: {  	[tilespmem:$0x1EF0] =	vst v1  }
0x79: {  	[tilespmem:$0x1B00] =	vst v1  }
0x7a: {  	[tilespmem:$0x1F00] =	vst v1  }
0x7b: {  	[tilespmem:$0x1B10] =	vst v1  }
0x7c: {  	[tilespmem:$0x1F10] =	vst v1  }
0x7d: {  	[tilespmem:$0x1B20] =	vst v1  }
0x7e: {  	[tilespmem:$0x1F20] =	vst v1  }
0x7f: {  	[tilespmem:$0x1B30] =	vst v1  }
0x80: {  	[tilespmem:$0x1F30] =	vst v1  }
0x81: {  	[tilespmem:$0x1B40] =	vst v1  }
0x82: {  	[tilespmem:$0x1F40] =	vst v1  }
0x83: {  	[tilespmem:$0x1B50] =	vst v1  }
0x84: {  	[tilespmem:$0x1F50] =	vst v1  }
0x85: {  	[tilespmem:$0x1B60] =	vst v1  }
0x86: {  	[tilespmem:$0x1F60] =	vst v1  }
0x87: {  	[tilespmem:$0x1B70] =	vst v1  }
0x88: {  	[tilespmem:$0x1F70] =	vst v1  }
0x89: {  	[tilespmem:$0x1B80] =	vst v1  }
0x8a: {  	[tilespmem:$0x1F80] =	vst v1  }
0x8b: {  	[tilespmem:$0x1B90] =	vst v1  }
0x8c: {  	[tilespmem:$0x1F90] =	vst v1  }
0x8d: {  	[tilespmem:$0x1BA0] =	vst v1  }
0x8e: {  	[tilespmem:$0x1FA0] =	vst v1  }
0x8f: {  	[tilespmem:$0x1BB0] =	vst v1  }
0x90: {  	[tilespmem:$0x1FB0] =	vst v1  }
0x91: {  	[tilespmem:$0x1BC0] =	vst v1  }
0x92: {  	[tilespmem:$0x1FC0] =	vst v1  }
0x93: {  	[tilespmem:$0x1BD0] =	vst v1  }
0x94: {  	[tilespmem:$0x1FD0] =	vst v1  }
0x95: {  	[tilespmem:$0x1BE0] =	vst v1  }
0x96: {  	[tilespmem:$0x1FE0] =	vst v1  }
0x97: {  	[tilespmem:$0x1BF0] =	vst v1  }
0x98: {  	[tilespmem:$0x1FF0] =	vst v1  }
0x99: {  	[tilespmem:$0x1C00] =	vst v1  }
0x9a: {  	[tilespmem:$0x2000] =	vst v1  }
0x9b: {  	[tilespmem:$0x1C10] =	vst v1  }
0x9c: {  	[tilespmem:$0x2010] =	vst v1  }
0x9d: {  	[tilespmem:$0x1C20] =	vst v1  }
0x9e: {  	[tilespmem:$0x2020] =	vst v1  }
0x9f: {  	[tilespmem:$0x1C30] =	vst v1  }
0xa0: {  	[tilespmem:$0x2030] =	vst v1  }
0xa1: {  	[tilespmem:$0x1C40] =	vst v1  }
0xa2: {  	[tilespmem:$0x2040] =	vst v1  }
0xa3: {  	[tilespmem:$0x1C50] =	vst v1  }
0xa4: {  	[tilespmem:$0x2050] =	vst v1  }
0xa5: {  	[tilespmem:$0x1C60] =	vst v1  }
0xa6: {  	[tilespmem:$0x2060] =	vst v1  }
0xa7: {  	[tilespmem:$0x1C70] =	vst v1  }
0xa8: {  	[tilespmem:$0x2070] =	vst v1  }
0xa9: {  	[tilespmem:$0x1C80] =	vst v1  }
0xaa: {  	[tilespmem:$0x2080] =	vst v1  }
0xab: {  	[tilespmem:$0x1C90] =	vst v1  }
0xac: {  	[tilespmem:$0x2090] =	vst v1  }
0xad: {  	[tilespmem:$0x1CA0] =	vst v1  }
0xae: {  	[tilespmem:$0x20A0] =	vst v1  }
0xaf: {  	[tilespmem:$0x1CB0] =	vst v1  }
0xb0: {  	[tilespmem:$0x20B0] =	vst v1  }
0xb1: {  	[tilespmem:$0x1CC0] =	vst v1  }
0xb2: {  	[tilespmem:$0x20C0] =	vst v1  }
0xb3: {  	[tilespmem:$0x1CD0] =	vst v1  }
0xb4: {  	[tilespmem:$0x20D0] =	vst v1  }
0xb5: {  	[tilespmem:$0x1CE0] =	vst v1  }
0xb6: {  	[tilespmem:$0x20E0] =	vst v1  }
0xb7: {  	[tilespmem:$0x1CF0] =	vst v1  }
0xb8: {  	[tilespmem:$0x20F0] =	vst v1  }
0xb9: {  	_ =	swait.ge [sflag:s17], $0x20  }
0xba: {  	[sflag:s17] =	ssyncset.done $0x0  }
0xbb: {  	[sflag:s17] =	ssyncadd.s32 $0xFFFFFFE0  }
0xbc: {  	[tilespmem:s19], [sflag:$0x3] =	stream.indirect.gather [hbm4b:s5+s18], $0x1, s16, s18, $0xb8;
	[tilespmem:$0x2300] =	vst v63  }
0xbd: {  	_ = 	snop  }
0xbe: {  	[tilespmem:s20], [sflag:$0x3] =	stream.indirect.gather [hbm4b:s1+s18], $0x1, s16, s18, $0xb8;
	[tilespmem:$0x2300] =	vst v63  }
0xbf: {  	_ =	swait.ge [sflag:s21], $0xC40  }
0xc0: {  	[sflag:s21] =	ssyncset.done $0x0  }
0xc1: {  	[sflag:s21] =	ssyncadd.s32 $0xFFFFF3C0  }
0xc2: {  	_ =	swait.ge [sflag:s21], $0x80  }
0xc3: {  	[sflag:s21] =	ssyncset.done $0x0  }
0xc4: {  	s30 =	simm.s32 $0xFFFFFFF2;
	[sflag:s21] =	ssyncadd.s32 $0xFFFFFF80  }
0xc5: {  	s31 =	simm.s32 $0xCF0;
	s2 =	simm.s32 $0x70;
	s0 =	simm.s32 $0x0;
	v4 =	vld [tilespmem:$0x2100]  }
.LBB2_2:
0xc6: {  	v5 =	vld [tilespmem:s2+$0xFFFFFF90];
	_ =	sdelay $0x3  }
0xc7: {  	v8 =	vld [tilespmem:s2+$0xFFFFFFA0]  }
0xc8: {  	v5 =	vsub.f32 v5, v4  }
0xc9: {  	v9 =	vld [tilespmem:s2+$0xFFFFFFB0]  }
0xca: {  	v6 =	vmul.f32 $1.442695020e+00, v5;
	_ =	sdelay $0x1  }
0xcb: {  	v8 =	vsub.f32 v8, v4;
	(erf) = vpow2.f32 v6  }
0xcc: {  	v7 =	vld [tilespmem:s31+$0xFFFFFF90]  }
0xcd: {  	v9 =	vsub.f32 v9, v4;
	v10 =	vmul.f32 $1.442695020e+00, v8;
	v6 =	vld [tilespmem:s31+$0xFFFFFF91];
	_ =	sdelay $0x1  }
0xce: {  	v44 =	vmul.f32 $1.442695020e+00, v9;
	(erf) = vpow2.f32 v10;
	_ =	sdelay $0x1  }
0xcf: {  	v12 =	vld [tilespmem:s31+$0xFFFFFFA1];
	(erf) = vpow2.f32 v44  }
0xd0: {  	v45 =	vld [tilespmem:s31+$0xFFFFFFB1];
	vm5 =	vne.s32 v7, v6  }
0xd1: {  	v15 =	vld [tilespmem:s2+$0xFFFFFFD0];
	v6 =	vnsel vm5, $0xFFFFFFFF, v2  }
0xd2: {  	v10 =	vld [tilespmem:s31+$0xFFFFFFA0];
	v6 =	vperm.xlane v6, v3;
	v11 =	vpop (erf)  }
0xd3: {  	vm1 =	veq.s32 v2, $0x0;
	v50 =	vld [tilespmem:s2+$0xFFFFFFE0];
	v5 =	vmul.f32 v11, v5  }
0xd4: {  	v24 =	vld [tilespmem:s2+$0xFFFFFFF0];
	v6 =	vsel vm1, $0xFFFFFFFF, v6;
	(xrf2) =	vadd.scan.msk.f32 $0xffff, v11  }
0xd5: {  	(xrf2) =	vadd.scan.msk.f32 $0xffff, v5;
	v5 =	vxor.u32 $0x80000000, v6;
	v6 =	vld [tilespmem:s2+$0xFFFFFFC0]  }
0xd6: {  	v11 =	vld [tilespmem:s31+$0xFFFFFFB0];
	v13 =	vpop (erf)  }
0xd7: {  	vm4 =	vne.s32 v10, v12;
	v8 =	vmul.f32 v13, v8;
	(xrf0) =	vmax.scan.msk.u32 $0xffff, v5  }
0xd8: {  	v15 =	vsub.f32 v15, v4;
	v48 =	vpop (erf);
	v5 =	vnsel vm4, $0xFFFFFFFF, v2;
	(xrf2) =	vadd.scan.msk.f32 $0xffff, v13  }
0xd9: {  	v56 =	vsub.f32 v50, v4;
	v9 =	vmul.f32 v48, v9;
	v5 =	vperm.xlane v5, v3;
	(xrf2) =	vadd.scan.msk.f32 $0xffff, v8  }
0xda: {  	v23 =	vld [tilespmem:s31+$0xFFFFFFD1];
	v24 =	vsub.f32 v24, v4;
	v54 =	vmul.f32 $1.442695020e+00, v15;
	(xrf2) =	vadd.scan.msk.f32 $0xffff, v48;
	v6 =	vsub.f32 v6, v4  }
0xdb: {  	v58 =	vmul.f32 $1.442695020e+00, v56;
	vm2 =	vne.s32 v11, v45;
	v5 =	vsel vm1, $0xFFFFFFFF, v5;
	(xrf2) =	vadd.scan.msk.f32 $0xffff, v9;
	v9 =	vld [tilespmem:s31+$0xFFFFFFD0]  }
0xdc: {  	v12 =	vnsel vm2, $0xFFFFFFFF, v2;
	v5 =	vxor.u32 $0x80000000, v5;
	v14 =	vmul.f32 $1.442695020e+00, v6  }
0xdd: {  	v17 =	vld [tilespmem:s31+$0xFFFFFFC1];
	v25 =	vmul.f32 $1.442695020e+00, v24;
	vm6 =	vmor vm5, vm0;
	v12 =	vperm.xlane v12, v3;
	(xrf0) =	vmax.scan.msk.u32 $0xffff, v5;
	v46, _, _ =	vpop (xrf0)  }
0xde: {  	vm8 =	vmor vm4, vm0;
	v8 =	vld [tilespmem:s31+$0xFFFFFFC0];
	v16 =	vxor.u32 $0x80000000, v46;
	(erf) = vpow2.f32 v14  }
0xdf: {  	vm7 =	vmor vm2, vm0;
	v12 =	vsel vm1, $0xFFFFFFFF, v12;
	v5, _, _ =	vpop (xrf2);
	vm3 =	vgt.s32 v16, $0x0  }
0xe0: {  	v51 =	vxor.u32 $0x80000000, v12;
	vm4 =	vne.s32 v9, v23;
	v47 =	vnsel vm3, $0x0, v16;
	v18, _, _ =	vpop (xrf2)  }
0xe1: {  	v23 =	vnsel vm4, $0xFFFFFFFF, v2;
	v49 =	vperm.xlane v5, v47;
	v14 =	vperm.xlane v18, v47  }
0xe2: {  	vm3 =	vlt.s32 v46, $0x0;
	(erf) = vpow2.f32 v54;
	v35 =	vperm.xlane v23, v3  }
0xe3: {  	v53, _, _ =	vpop (xrf0);
	(xrf0) =	vmax.scan.msk.u32 $0xffff, v51;
	v13 =	vnsel vm3, $0x0, v49;
	v52 =	vnsel vm3, $0x0, v14;
	vm3 =	vne.s32 v8, v17  }
0xe4: {  	v55 =	vxor.u32 $0x80000000, v53;
	vm10 =	vlt.s32 v53, $0x0;
	v19 =	vnsel vm3, $0xFFFFFFFF, v2  }
0xe5: {  	v20, _, _ =	vpop (xrf2);
	vm9 =	vgt.s32 v55, $0x0;
	v5 =	vsub.f32 v5, v13;
	v19 =	vperm.xlane v19, v3  }
0xe6: {  	v26 =	vld [tilespmem:s2+$0x0];
	v21, _, _ =	vpop (xrf2);
	v37 =	vsel vm1, $0xFFFFFFFF, v35;
	v12 =	vsub.f32 v18, v52;
	v17 =	vnsel vm9, $0x0, v55  }
0xe7: {  	v38 =	vxor.u32 $0x80000000, v37;
	v57 =	vperm.xlane v20, v17;
	[tilespmem:v7+s22+$0x0] =	vst.idx.add.f32.msk vm6, v5;
	v19 =	vsel vm1, $0xFFFFFFFF, v19;
	v22 =	vpop (erf)  }
0xe8: {  	v17 =	vperm.xlane v21, v17;
	[tilespmem:v7+s23+$0x0] =	vst.idx.add.f32.msk vm6, v12;
	v19 =	vxor.u32 $0x80000000, v19;
	(xrf2) =	vadd.scan.msk.f32 $0xffff, v22  }
0xe9: {  	v63 =	vld [tilespmem:s31+$0xFFFFFFE1];
	vm6 =	vmor vm3, vm0;
	v60, _, _ =	vpop (xrf0);
	(erf) = vpow2.f32 v58;
	v6 =	vmul.f32 v22, v6;
	(xrf0) =	vmax.scan.msk.u32 $0xffff, v19  }
0xea: {  	v39 =	vld [tilespmem:s31+$0xFFFFFFF1];
	v62, _, _ =	vpop (xrf2);
	v59 =	vnsel vm10, $0x0, v57;
	v17 =	vnsel vm10, $0x0, v17;
	v61 =	vxor.u32 $0x80000000, v60;
	(xrf0) =	vmax.scan.msk.u32 $0xffff, v38  }
0xeb: {  	v54 =	vld [tilespmem:s31+$0x1];
	v13 =	vsub.f32 v20, v59;
	v17 =	vsub.f32 v21, v17;
	v34 =	vpop (erf);
	vm11 =	vgt.s32 v61, $0x0;
	(xrf2) =	vadd.scan.msk.f32 $0xffff, v6  }
0xec: {  	v32, _, _ =	vpop (xrf2);
	v20 =	vsub.f32 v26, v4;
	v15 =	vmul.f32 v34, v15;
	v6 =	vld [tilespmem:s31+$0xFFFFFFE0];
	v18 =	vnsel vm11, $0x0, v61  }
0xed: {  	vm12 =	vlt.s32 v60, $0x0;
	[tilespmem:v10+s22+$0x0] =	vst.idx.add.f32.msk vm8, v13;
	v33 =	vperm.xlane v62, v18;
	v5 =	vperm.xlane v32, v18  }
0xee: {  	(erf) = vpow2.f32 v25;
	v48 =	vmul.f32 $1.442695020e+00, v20;
	(xrf2) =	vadd.scan.msk.f32 $0xffff, v34;
	[tilespmem:v10+s23+$0x0] =	vst.idx.add.f32.msk vm8, v17  }
0xef: {  	s3 =	sand.u32 $0xFE0, s0;
	vm8 =	vmor vm4, vm0;
	(xrf2) =	vadd.scan.msk.f32 $0xffff, v15;
	v22 =	vnsel vm12, $0x0, v33;
	v27 =	vnsel vm12, $0x0, v5;
	v5 =	vld [tilespmem:s31+$0xFFFFFFF0];
	v36, _, _ =	vpop (xrf0)  }
0xf0: {  	v47 =	vld [tilespmem:s3+$0x80];
	v42 =	vsub.f32 v62, v22;
	v49 =	vsub.f32 v32, v27;
	v28 =	vxor.u32 $0x80000000, v36  }
0xf1: {  	v37 =	vld [tilespmem:s31+$0x11];
	vm13 =	vne.s32 v6, v63;
	vm14 =	vlt.s32 v36, $0x0;
	v53, _, _ =	vpop (xrf0);
	vm2 =	vgt.s32 v28, $0x0  }
0xf2: {  	v41 =	vnsel vm13, $0xFFFFFFFF, v2;
	v43 =	vpop (erf);
	(erf) = vpow2.f32 v48;
	v55 =	vxor.u32 $0x80000000, v53;
	[tilespmem:v11+s22+$0x0] =	vst.idx.add.f32.msk vm7, v42  }
0xf3: {  	vm15 =	vlt.s32 v53, $0x0;
	vm5 =	vmor vm13, vm0;
	v53 =	vld [tilespmem:s2+$0x40];
	v15 =	vperm.xlane v41, v3  }
0xf4: {  	v7 =	vnsel vm2, $0x0, v28;
	v14 =	vmul.f32 v43, v56;
	[tilespmem:v11+s23+$0x0] =	vst.idx.add.f32.msk vm7, v49;
	v40, _, _ =	vpop (xrf2);
	vm2 =	vne.s32 v5, v39  }
0xf5: {  	vm3 =	vgt.s32 v55, $0x0;
	v11 =	vld [tilespmem:s31+$0x20];
	v45 =	vperm.xlane v40, v7;
	v51 =	vnsel vm2, $0xFFFFFFFF, v2;
	v44, _, _ =	vpop (xrf2)  }
0xf6: {  	v10 =	vnsel vm3, $0x0, v55;
	v21 =	vperm.xlane v51, v3;
	v51 =	vld [tilespmem:s31+$0x21];
	v46 =	vperm.xlane v44, v7  }
0xf7: {  	v56 =	vpop (erf);
	(xrf2) =	vadd.scan.msk.f32 $0xffff, v43;
	v7 =	vsel vm1, $0xFFFFFFFF, v15;
	v50 =	vnsel vm14, $0x0, v45;
	v15 =	vsub.f32 v47, v4;
	v45 =	vld [tilespmem:s2+$0x30]  }
0xf8: {  	v12 =	vmul.f32 v56, v24;
	(xrf2) =	vadd.scan.msk.f32 $0xffff, v14;
	v58, _, _ =	vpop (xrf2);
	v7 =	vxor.u32 $0x80000000, v7;
	v14 =	vsub.f32 v40, v50;
	v40 =	vld [tilespmem:s2+$0x20]  }
0xf9: {  	v57 =	vsel vm1, $0xFFFFFFFF, v21;
	v59, _, _ =	vpop (xrf2);
	v61 =	vperm.xlane v58, v10;
	(xrf0) =	vmax.scan.msk.u32 $0xffff, v7;
	v7 =	vld [tilespmem:s31+$0x0];
	v60 =	vmul.f32 $1.442695020e+00, v15  }
0xfa: {  	v52 =	vnsel vm14, $0x0, v46;
	v17 =	vxor.u32 $0x80000000, v57;
	v62 =	vperm.xlane v59, v10;
	v10 =	vld [tilespmem:s3+$0xD00]  }
0xfb: {  	(xrf2) =	vadd.scan.msk.f32 $0xffff, v56;
	v13 =	vsub.f32 v44, v52;
	v33 =	vnsel vm15, $0x0, v61;
	(erf) = vpow2.f32 v60  }
0xfc: {  	(xrf0) =	vmax.scan.msk.u32 $0xffff, v17;
	v22 =	vnsel vm15, $0x0, v62;
	v18 =	vsub.f32 v58, v33;
	v62 =	vsub.f32 v53, v4  }
0xfd: {  	(xrf2) =	vadd.scan.msk.f32 $0xffff, v12;
	v39 =	vpop (erf);
	vm7 =	vne.s32 v11, v51;
	v19 =	vsub.f32 v59, v22;
	v23 =	vsub.f32 v45, v4  }
0xfe: {  	v20 =	vmul.f32 v39, v20;
	v26 =	vsub.f32 v40, v4;
	vm3 =	vne.s32 v7, v54  }
0xff: {  	[tilespmem:v8+s22+$0x0] =	vst.idx.add.f32.msk vm6, v14;
	vm4 =	vne.s32 v10, v37;
	v58 =	vmul.f32 $1.442695020e+00, v23;
	v32 =	vnsel vm3, $0xFFFFFFFF, v2  }
0x100: {  	[tilespmem:v8+s23+$0x0] =	vst.idx.add.f32.msk vm6, v13;
	v63, _, _ =	vpop (xrf0);
	v48 =	vnsel vm4, $0xFFFFFFFF, v2;
	v52 =	vmul.f32 $1.442695020e+00, v26;
	vm3 =	vmor vm3, vm0  }
0x101: {  	v8 =	vld [tilespmem:s31+$0x40];
	v34, _, _ =	vpop (xrf2);
	vm4 =	vmor vm4, vm0;
	v31 =	vxor.u32 $0x80000000, v63;
	v35 =	vperm.xlane v32, v3  }
0x102: {  	(xrf2) =	vadd.scan.msk.f32 $0xffff, v39;
	v39 =	vld [tilespmem:s31+$0x41];
	vm12 =	vlt.s32 v63, $0x0;
	v42, _, _ =	vpop (xrf0);
	v22 =	vperm.xlane v48, v3;
	vm9 =	vgt.s32 v31, $0x0  }
0x103: {  	v43 =	vxor.u32 $0x80000000, v42;
	vm14 =	vlt.s32 v42, $0x0;
	(erf) = vpow2.f32 v52  }
0x104: {  	v63 =	vld [tilespmem:s2+$0x50];
	v24 =	vnsel vm9, $0x0, v31;
	v21 =	vsel vm1, $0xFFFFFFFF, v35;
	vm13 =	vgt.s32 v43, $0x0  }
0x105: {  	[tilespmem:v9+s22+$0x0] =	vst.idx.add.f32.msk vm8, v18;
	v36, _, _ =	vpop (xrf2);
	v22 =	vsel vm1, $0xFFFFFFFF, v22;
	(erf) = vpow2.f32 v58;
	v38 =	vperm.xlane v34, v24  }
0x106: {  	[tilespmem:v9+s23+$0x0] =	vst.idx.add.f32.msk vm8, v19;
	v47, _, _ =	vpop (xrf2);
	v41 =	vperm.xlane v36, v24;
	v21 =	vxor.u32 $0x80000000, v21;
	v46 =	vnsel vm13, $0x0, v43  }
0x107: {  	v29, _, _ =	vpop (xrf2);
	v55 =	vxor.u32 $0x80000000, v22;
	vm8 =	vne.s32 v8, v39;
	(xrf0) =	vmax.scan.msk.u32 $0xffff, v21;
	v49 =	vperm.xlane v47, v46  }
0x108: {  	v56 =	vld [tilespmem:s31+$0x31];
	(xrf2) =	vadd.scan.msk.f32 $0xffff, v20;
	v50 =	vpop (erf);
	v30 =	vperm.xlane v29, v46;
	v12 =	vnsel vm12, $0x0, v38;
	v44 =	vnsel vm12, $0x0, v41  }
0x109: {  	v15 =	vmul.f32 v50, v15;
	(xrf2) =	vadd.scan.msk.f32 $0xffff, v50;
	v24 =	vsub.f32 v63, v4;
	v16 =	vsub.f32 v34, v12;
	v12 =	vld [tilespmem:s31+$0x30]  }
0x10a: {  	v50 =	vnsel vm8, $0xFFFFFFFF, v2;
	v21 =	vsub.f32 v36, v44;
	v57 =	vnsel vm14, $0x0, v49  }
0x10b: {  	v59 =	vnsel vm14, $0x0, v30;
	v34 =	vnsel vm7, $0xFFFFFFFF, v2;
	v36 =	vmul.f32 $1.442695020e+00, v62;
	(xrf2) =	vadd.scan.msk.f32 $0xffff, v15  }
0x10c: {  	v41 =	vld [tilespmem:s2+$0x60];
	v52 =	vperm.xlane v50, v3;
	vm14 =	vmor vm2, vm0;
	v35 =	vperm.xlane v34, v3  }
0x10d: {  	v17 =	vsub.f32 v47, v57;
	v47 =	vmul.f32 $1.442695020e+00, v24;
	(erf) = vpow2.f32 v36;
	v31, _, _ =	vpop (xrf0)  }
0x10e: {  	v51 =	vld [tilespmem:s31+$0x51];
	v14 =	vsub.f32 v29, v59;
	v29 =	vsel vm1, $0xFFFFFFFF, v52;
	(xrf0) =	vmax.scan.msk.u32 $0xffff, v55;
	v32 =	vpop (erf);
	vm6 =	vne.s32 v12, v56  }
0x10f: {  	v9 =	vld [tilespmem:s31+$0x50];
	v27 =	vsel vm1, $0xFFFFFFFF, v35;
	(erf) = vpow2.f32 v47;
	(xrf2) =	vadd.scan.msk.f32 $0xffff, v32;
	v38 =	vnsel vm6, $0xFFFFFFFF, v2  }
0x110: {  	v61, _, _ =	vpop (xrf2);
	[tilespmem:v6+s22+$0x0] =	vst.idx.add.f32.msk vm5, v16;
	v27 =	vxor.u32 $0x80000000, v27;
	v26 =	vmul.f32 v32, v26;
	v13 =	vperm.xlane v38, v3  }
0x111: {  	v29 =	vxor.u32 $0x80000000, v29;
	v20 =	vsub.f32 v41, v4;
	v54 =	vxor.u32 $0x80000000, v31;
	(xrf0) =	vmax.scan.msk.u32 $0xffff, v27;
	v49 =	vpop (erf)  }
0x112: {  	v42, _, _ =	vpop (xrf2);
	vm15 =	vgt.s32 v54, $0x0;
	v23 =	vmul.f32 v49, v23;
	(xrf2) =	vadd.scan.msk.f32 $0xffff, v26;
	v13 =	vsel vm1, $0xFFFFFFFF, v13  }
0x113: {  	v53 =	vmul.f32 $1.442695020e+00, v20;
	v60 =	vnsel vm15, $0x0, v54;
	(xrf2) =	vadd.scan.msk.f32 $0xffff, v49;
	v44, _, _ =	vpop (xrf2);
	v46 =	vxor.u32 $0x80000000, v13  }
0x114: {  	vm12 =	vlt.s32 v31, $0x0;
	v33 =	vperm.xlane v61, v60;
	v22 =	vperm.xlane v42, v60;
	v40, _, _ =	vpop (xrf0);
	(xrf0) =	vmax.scan.msk.u32 $0xffff, v46  }
0x115: {  	[tilespmem:v6+s23+$0x0] =	vst.idx.add.f32.msk vm5, v21;
	vm6 =	vmor vm6, vm0;
	vm15 =	vne.s32 v9, v51;
	(erf) = vpow2.f32 v53;
	v48, _, _ =	vpop (xrf2)  }
0x116: {  	(xrf2) =	vadd.scan.msk.f32 $0xffff, v23;
	v37 =	vnsel vm12, $0x0, v33;
	v22 =	vnsel vm12, $0x0, v22;
	v43 =	vxor.u32 $0x80000000, v40;
	v57 =	vpop (erf)  }
0x117: {  	v56 =	vld [tilespmem:s31+$0x61];
	vm13 =	vlt.s32 v40, $0x0;
	v25 =	vsub.f32 v61, v37;
	v55, _, _ =	vpop (xrf0);
	v15 =	vmul.f32 v57, v62  }
0x118: {  	v13 =	vld [tilespmem:s31+$0x60];
	v18 =	vsub.f32 v42, v22;
	vm10 =	vgt.s32 v43, $0x0;
	v58 =	vxor.u32 $0x80000000, v55;
	(xrf2) =	vadd.scan.msk.f32 $0xffff, v57;
	v6 =	vpop (erf)  }
0x119: {  	v62 =	vnsel vm15, $0xFFFFFFFF, v2;
	v45 =	vnsel vm10, $0x0, v43;
	vm2 =	vgt.s32 v58, $0x0;
	(xrf2) =	vadd.scan.msk.f32 $0xffff, v15;
	v34, _, _ =	vpop (xrf2)  }
0x11a: {  	v33 =	vperm.xlane v44, v45;
	v27 =	vperm.xlane v48, v45;
	v61 =	vnsel vm2, $0x0, v58;
	(xrf2) =	vadd.scan.msk.f32 $0xffff, v6;
	v59, _, _ =	vpop (xrf0)  }
0x11b: {  	v15 =	vperm.xlane v62, v3;
	v6 =	vmul.f32 v6, v24;
	(xrf0) =	vmax.scan.msk.u32 $0xffff, v29;
	v60 =	vxor.u32 $0x80000000, v59  }
0x11c: {  	v54 =	vnsel vm13, $0x0, v33;
	v27 =	vnsel vm13, $0x0, v27;
	vm2 =	vgt.s32 v60, $0x0  }
0x11d: {  	v15 =	vsel vm1, $0xFFFFFFFF, v15;
	v35, _, _ =	vpop (xrf2);
	v63 =	vnsel vm2, $0x0, v60;
	vm2 =	vne.s32 v13, v56  }
0x11e: {  	v36 =	vperm.xlane v34, v61;
	v15 =	vxor.u32 $0x80000000, v15;
	(xrf2) =	vadd.scan.msk.f32 $0xffff, v6;
	v40, _, _ =	vpop (xrf2);
	v30 =	vnsel vm2, $0xFFFFFFFF, v2  }
0x11f: {  	v32 =	vsub.f32 v44, v54;
	v38 =	vsub.f32 v48, v27;
	(xrf0) =	vmax.scan.msk.u32 $0xffff, v15;
	v6 =	vpop (erf);
	v21 =	vperm.xlane v30, v3  }
0x120: {  	v39 =	vperm.xlane v35, v61;
	vm12 =	vlt.s32 v59, $0x0;
	v43, _, _ =	vpop (xrf2);
	(xrf2) =	vadd.scan.msk.f32 $0xffff, v6;
	v6 =	vmul.f32 v6, v20  }
0x121: {  	[tilespmem:v5+s22+$0x0] =	vst.idx.add.f32.msk vm14, v17;
	v16 =	vperm.xlane v43, v63;
	v37, _, _ =	vpop (xrf0);
	v21 =	vsel vm1, $0xFFFFFFFF, v21;
	vm1 =	vlt.s32 v55, $0x0  }
0x122: {  	v45, _, _ =	vpop (xrf2);
	(xrf2) =	vadd.scan.msk.f32 $0xffff, v6;
	v41 =	vxor.u32 $0x80000000, v37;
	v24 =	vnsel vm1, $0x0, v36;
	v42 =	vxor.u32 $0x80000000, v21  }
0x123: {  	v27 =	vnsel vm1, $0x0, v39;
	vm11 =	vgt.s32 v41, $0x0;
	vm1 =	vmor vm7, vm0;
	(xrf0) =	vmax.scan.msk.u32 $0xffff, v42  }
0x124: {  	[tilespmem:v7+s22+$0x0] =	vst.idx.add.f32.msk vm3, v25;
	v44 =	vperm.xlane v40, v63;
	vm2 =	vmor vm2, vm0;
	v6, _, _ =	vpop (xrf2);
	v29 =	vnsel vm11, $0x0, v41  }
0x125: {  	[tilespmem:v7+s23+$0x0] =	vst.idx.add.f32.msk vm3, v18;
	v7 =	vnsel vm12, $0x0, v16;
	v47, _, _ =	vpop (xrf0);
	v48 =	vperm.xlane v45, v29;
	v49 =	vperm.xlane v6, v29  }
0x126: {  	[tilespmem:v5+s23+$0x0] =	vst.idx.add.f32.msk vm14, v14;
	vm3 =	vlt.s32 v37, $0x0;
	v50 =	vxor.u32 $0x80000000, v47;
	v5 =	vsub.f32 v34, v24  }
0x127: {  	v51 =	vnsel vm3, $0x0, v48;
	v52 =	vnsel vm3, $0x0, v49;
	vm3 =	vgt.s32 v50, $0x0  }
0x128: {  	[tilespmem:v10+s22+$0x0] =	vst.idx.add.f32.msk vm4, v32;
	v54 =	vsub.f32 v35, v27;
	v53 =	vnsel vm3, $0x0, v50;
	vm3 =	vmor vm8, vm0  }
0x129: {  	v46 =	vnsel vm12, $0x0, v44;
	v7 =	vsub.f32 v43, v7;
	vm14 =	vlt.s32 v47, $0x0;
	[tilespmem:v11+s22+$0x0] =	vst.idx.add.f32.msk vm1, v5;
	v55, _, _ =	vpop (xrf0)  }
0x12a: {  	v56, _, _ =	vpop (xrf2);
	v5 =	vsub.f32 v40, v46;
	[tilespmem:v11+s23+$0x0] =	vst.idx.add.f32.msk vm1, v54;
	vm1 =	vmor vm15, vm0;
	v57 =	vxor.u32 $0x80000000, v55  }
0x12b: {  	[tilespmem:v10+s23+$0x0] =	vst.idx.add.f32.msk vm4, v38;
	v59, _, _ =	vpop (xrf2);
	v6 =	vsub.f32 v6, v52;
	v58 =	vperm.xlane v56, v53;
	vm13 =	vgt.s32 v57, $0x0  }
0x12c: {  	v60, _, _ =	vpop (xrf2);
	v10 =	vperm.xlane v59, v53;
	[tilespmem:v12+s22+$0x0] =	vst.idx.add.f32.msk vm6, v5;
	v5 =	vsub.f32 v45, v51;
	v14 =	vnsel vm13, $0x0, v57  }
0x12d: {  	s30 =	sadd.s32 $0xE, s30;
	v61, _, _ =	vpop (xrf2);
	vm15 =	vlt.s32 v55, $0x0;
	[tilespmem:v12+s23+$0x0] =	vst.idx.add.f32.msk vm6, v7;
	v7 =	vnsel vm14, $0x0, v58;
	v62 =	vperm.xlane v60, v14  }
0x12e: {  	p1 =	slt.u32 s30, $0xB6;
	v7 =	vsub.f32 v56, v7;
	[tilespmem:v8+s22+$0x0] =	vst.idx.add.f32.msk vm3, v5;
	v5 =	vnsel vm14, $0x0, v10;
	v63 =	vperm.xlane v61, v14  }
.Ltmp0:
0x12f: {  	[tilespmem:v8+s23+$0x0] =	vst.idx.add.f32.msk vm3, v6;
	v5 =	vsub.f32 v59, v5;
	v6 =	vnsel vm15, $0x0, v62;
	(pc) =	sbr.rel @p1 .LBB2_2-.Ltmp0, $4  }
0x130: {  	[tilespmem:v9+s22+$0x0] =	vst.idx.add.f32.msk vm1, v7;
	v7 =	vnsel vm15, $0x0, v63;
	v6 =	vsub.f32 v60, v6  }
0x131: {  	[tilespmem:v9+s23+$0x0] =	vst.idx.add.f32.msk vm1, v5;
	v5 =	vsub.f32 v61, v7  }
0x132: {  	[tilespmem:v13+s22+$0x0] =	vst.idx.add.f32.msk vm2, v6  }
0x133: {  	s0 =	sadd.s32 $0xE0, s0;
	s2 =	sadd.s32 $0xE0, s2;
	s31 =	sadd.s32 $0xE0, s31;
	[tilespmem:v13+s23+$0x0] =	vst.idx.add.f32.msk vm2, v5  }
0x134: {  	[hbm4b:s10+s24] =	stream.strided.scatter [tilespmem:s22], [sflag:$0x4], $0x400, s25, s24, $0x38;
	[tilespmem:$0x2300] =	vst v63  }
0x135: {  	_ = 	snop  }
0x136: {  	[hbm4b:s11+s24] =	stream.strided.scatter [tilespmem:s23], [sflag:$0x4], $0x400, s25, s24, $0x38;
	[tilespmem:$0x2300] =	vst v63  }
0x137: {  	_ =	swait.ge [sflag:s26], $0x20  }
0x138: {  	[sflag:s26] =	ssyncset.done $0x0  }
0x139: {  	[sflag:s26] =	ssyncadd.s32 $0xFFFFFFE0  }
0x13a: {  	_ =	swait.ge [sflag:s26], $0x20  }
0x13b: {  	[sflag:s26] =	ssyncset.done $0x0  }
0x13c: {  	[sflag:s26] =	ssyncadd.s32 $0xFFFFFFE0  }
0x13d: {  	[hbm4b:s12+s4] =	stream.linear.scatter [tilespmem:s19], [sflag:$0x4], $0x20, $0x38;
	[tilespmem:$0x2300] =	vst v63  }
0x13e: {  	_ = 	snop  }
0x13f: {  	[hbm4b:s13+s4] =	stream.linear.scatter [tilespmem:s20], [sflag:$0x4], $0x20, $0x38;
	[tilespmem:$0x2300] =	vst v63  }
0x140: {  	_ =	swait.ge [sflag:s28], $0x400  }
0x141: {  	[sflag:s28] =	ssyncset.done $0x0  }
0x142: {  	[sflag:s28] =	ssyncadd.s32 $0xFFFFFC00  }
0x143: {  	_ =	swait.ge [sflag:s28], $0x400  }
0x144: {  	[sflag:s28] =	ssyncset.done $0x0  }
0x145: {  	s29 =	sadd.s32 $0x1, s29;
	[sflag:s28] =	ssyncadd.s32 $0xFFFFFC00  }
0x146: {  	p1 =	sne.s32 s29, s14;
	_ =	swait.ge [sflag:s28], $0x20  }
.Ltmp1:
0x147: {  	[sflag:s28] =	ssyncset.done $0x0;
	(pc) =	sbr.rel @p1 .LBB2_1-.Ltmp1, $4  }
0x148: {  	[sflag:s28] =	ssyncadd.s32 $0xFFFFFFE0  }
0x149: {  	_ =	swait.ge [sflag:s28], $0x20  }
0x14a: {  	[sflag:s28] =	ssyncset.done $0x0  }
0x14b: {  	[sflag:s28] =	ssyncadd.s32 $0xFFFFFFE0  }
0x14c: {  	_ =	sfence.sel $0x180000  }
0x14d: {  	[bflag:$0x0] =	sbarrier.arrive $0xFFFF  }
0x14e: {  	_ =	strace $0x90000047  }
0x14f: {  	s0 =	stileid.u32;
	[bflag:$0x2] =	sbarrier.arrive $0xFFFF  }
0x150: {  	p0 =	sne.s32 s0, $0x0;
	s0 =	rddreg [dreg:$0x5]  }
0x151: {  	s0 =	sadd.s32 @!p0 $0x100000, s0  }
0x152: {  	[sflag:s0] =	ssyncadd.tile.s32 @!p0 $0x1;
	_ =	shalt  }
.Lfunc_end2:
_tile_overlayer_lowered:
.L_overlay_start_2:
0x153: {  	(tag) =	ssettag $0x2  }
0x154: {  	s0 =	rddreg [dreg:$0x0];
	s2 =	stileid.u32  }
0x155: {  	s1 =	rddreg [dreg:$0x1];
	p0 =	sne.s32 s2, $0x0  }
0x156: {  	s3 =	rddreg [dreg:$0x2];
	[bflag:$0x3] =	sbarrier.arrive $0xFFFF;
	s2 =	simm.s32 @!p0 $0x1C05  }
0x157: {  	[timem:s3], [sflag:s2] =	dma.local @!p0 [hbm:s0], s1  }
0x158: {  	s0 =	simm.s32 @!p0 $0x5  }
0x159: {  	_ =	swait.ge @!p0 [sflag:s0], s1  }
0x15a: {  	s1 =	ssub.s32 @!p0 $0x0, s1;
	[sflag:s0] =	ssyncset.done @!p0 $0x0  }
0x15b: {  	[sflag:s0] =	ssyncadd.s32 @!p0 s1  }
0x15c: {  	[bflag:$0x3] =	sbarrier.arrive $0xFFFF  }
0x15d: {  	_ =	shalt  }

</sc_bundles>
